<compile_context>
chip_gen: v7x
topology: tpu7x:2x2x1
jax: 0.10.2.dev20260603
libtpu: 0.0.44.dev20260713+nightly
codegen_flags: <defaults>
</compile_context>

<pallas_src>
import functools

import jax
import jax.numpy as jnp
import numpy as np
from jax import lax
from jax.experimental import pallas as pl
from jax.experimental.pallas import tpu as pltpu
from jax.experimental.pallas import tpu_sc as plsc

_NUM_LEVELS = 16
_MIN_RES = 16
_MAX_RES = 1024
_TABLE_SIZE = 2 ** 19
_FEAT = 2
_N = 262144

_growth = np.exp((np.log(_MAX_RES) - np.log(_MIN_RES)) / (_NUM_LEVELS - 1))
_SCALES = [
    float(v)
    for v in np.floor(_MIN_RES * _growth ** np.arange(_NUM_LEVELS)).astype(np.float32)
]
_P1 = 2654435761
_P2 = 805459861
_MASK = _TABLE_SIZE - 1

_LPC = _NUM_LEVELS // 2
_TPTS = _N // 16
_C = 512
_NCH = _TPTS // _C
_CI = _C * 16
_LWORDS = _TABLE_SIZE * 2
_SWORDS = _LWORDS // 16
_EB = 8
_EW = _EB * _C
_PCW = 3 * _C


def _sc_encode(p_flat, table_flat):
    mesh = plsc.VectorSubcoreMesh(core_axis_name="c", subcore_axis_name="s")

    @functools.partial(
        pl.kernel,
        mesh=mesh,
        out_type=jax.ShapeDtypeStruct((_NUM_LEVELS * _FEAT, _N), jnp.float32),
        scratch_types=[
            pltpu.VMEM_SHARED((_LWORDS,), jnp.float32),
            pltpu.VMEM((3 * _PCW,), jnp.float32),
            pltpu.VMEM((2 * _CI,), jnp.int32),
            pltpu.VMEM((2 * _CI,), jnp.float32),
            pltpu.VMEM((_FEAT, _EW), jnp.float32),
            pltpu.VMEM((2 * 3 * _C,), jnp.float32),
            pltpu.SemaphoreType.DMA,
            pltpu.SemaphoreType.DMA,
            pltpu.SemaphoreType.DMA,
            pltpu.SemaphoreType.DMA,
            pltpu.SemaphoreType.DMA,
        ],
    )
    def enc_kernel(p_hbm, table_hbm, enc_hbm, sp, p_v, idx_v, rows_v, enc_v,
                   off_v, gsem0, gsem1, psem0, psem1, psem2):
        cid = lax.axis_index("c")
        sid = lax.axis_index("s")
        tbase = sid * _TPTS

        def p_copy(cc, slot):
            return pltpu.make_async_copy(
                p_hbm.at[pl.ds((tbase + cc * _C) * 3, _PCW)],
                p_v.at[pl.ds(slot * _PCW, _PCW)],
                (psem0, psem1, psem2)[slot],
            )

        def fire_p(cc):
            m = lax.rem(cc, 3)
            for s in range(3):
                @pl.when(m == s)
                def _():
                    p_copy(cc, s).start()

        def drain_p(cc):
            m = lax.rem(cc, 3)
            for s in range(3):
                @pl.when(m == s)
                def _():
                    p_copy(cc, s).wait()

        def corners_1d(s):
            fi = s.astype(jnp.int32)
            ff = fi.astype(jnp.float32)
            ci = jnp.where(s == ff, fi, fi + 1)
            return fi.astype(jnp.uint32), ci.astype(jnp.uint32), s - ff

        def coords(po, g):
            q0 = g * 16
            xo = po + ((q0 >> 7) * 384) + (q0 & 127)
            x = p_v[pl.ds(xo, 16)]
            y = p_v[pl.ds(xo + 128, 16)]
            z = p_v[pl.ds(xo + 256, 16)]
            return x, y, z

        def hash_chunk(cc, boff, sv):
            po = lax.rem(cc, 3) * _PCW

            def group_body(g):
                x, y, z = coords(po, g)
                f0, c0, o0 = corners_1d(x * sv)
                f1, c1, o1 = corners_1d(y * sv)
                f2, c2, o2 = corners_1d(z * sv)
                gb = g * 16
                woff = (boff // _CI) * 3 * _C
                off_v[pl.ds(woff + gb, 16)] = o0
                off_v[pl.ds(woff + _C + gb, 16)] = o1
                off_v[pl.ds(woff + 2 * _C + gb, 16)] = o2
                bc = c1 * jnp.uint32(_P1)
                bf = f1 * jnp.uint32(_P1)
                dc = c2 * jnp.uint32(_P2)
                df = f2 * jnp.uint32(_P2)
                t_cc = c0 ^ bc
                t_cf = c0 ^ bf
                t_fc = f0 ^ bc
                t_ff = f0 ^ bf
                hs = (
                    t_cc ^ dc,
                    t_cf ^ dc,
                    t_ff ^ dc,
                    t_fc ^ dc,
                    t_cc ^ df,
                    t_cf ^ df,
                    t_ff ^ df,
                    t_fc ^ df,
                )
                for k in range(8):
                    v = hs[k] & jnp.uint32(_MASK)
                    e = (v + (v & jnp.uint32(0xFFFFFF80))).astype(jnp.int32)
                    idx_v[pl.ds(boff + (k * 2) * _C + gb, 16)] = e
                    idx_v[pl.ds(boff + (k * 2 + 1) * _C + gb, 16)] = e + 128

            def group(g, carry):
                group_body(g * 2)
                group_body(g * 2 + 1)
                return carry

            lax.fori_loop(0, _C // 32, group, 0)

        def fire(boff, parity):
            src = sp.at[idx_v.at[pl.ds(boff, _CI)]]
            dst = rows_v.at[pl.ds(boff, _CI)]

            @pl.when(parity == 0)
            def _():
                pltpu.async_copy(src, dst, gsem0)

            @pl.when(parity != 0)
            def _():
                pltpu.async_copy(src, dst, gsem1)

        def drain(boff, parity):
            src = sp.at[idx_v.at[pl.ds(boff, _CI)]]
            dst = rows_v.at[pl.ds(boff, _CI)]

            @pl.when(parity == 0)
            def _():
                pltpu.make_async_copy(src, dst, gsem0).wait()

            @pl.when(parity != 0)
            def _():
                pltpu.make_async_copy(src, dst, gsem1).wait()

        def interp_chunk(cc, boff, sv):
            ecol = (cc % _EB) * _C

            def group_body(g):
                gb = g * 16
                woff = (boff // _CI) * 3 * _C
                o0 = off_v[pl.ds(woff + gb, 16)]
                o1 = off_v[pl.ds(woff + _C + gb, 16)]
                o2 = off_v[pl.ds(woff + 2 * _C + gb, 16)]
                for f in range(_FEAT):
                    g_ = [
                        rows_v[pl.ds(boff + (k * 2 + f) * _C + gb, 16)]
                        for k in range(8)
                    ]
                    f03 = g_[3] + o0 * (g_[0] - g_[3])
                    f12 = g_[2] + o0 * (g_[1] - g_[2])
                    f56 = g_[6] + o0 * (g_[5] - g_[6])
                    f47 = g_[7] + o0 * (g_[4] - g_[7])
                    f0312 = f12 + o1 * (f03 - f12)
                    f4756 = f56 + o1 * (f47 - f56)
                    enc_v[f, pl.ds(ecol + gb, 16)] = (
                        f4756 + o2 * (f0312 - f4756)
                    )

            def group(g, carry):
                group_body(g * 2)
                group_body(g * 2 + 1)
                return carry

            lax.fori_loop(0, _C // 32, group, 0)

        def level_pass(lv, carry):
            lg = cid * _LPC + lv
            fire_p(0)
            plsc.subcore_barrier()
            pltpu.sync_copy(
                table_hbm.at[pl.ds(lg * _LWORDS + sid * _SWORDS, _SWORDS)],
                sp.at[pl.ds(sid * _SWORDS, _SWORDS)],
            )
            plsc.subcore_barrier()

            lgv = jnp.full((16,), lg, jnp.int32)
            sv = jnp.full((16,), 0.0, jnp.float32)
            for l in range(_NUM_LEVELS):
                sv = jnp.where(lgv == l, jnp.float32(_SCALES[l]), sv)

            def stage(cc, carry2):
                b = cc & 1
                boff = b * _CI

                @pl.when(cc < _NCH)
                def _():
                    drain_p(cc)
                    hash_chunk(cc, boff, sv)
                    fire(boff, b)

                @pl.when(cc + 1 < _NCH)
                def _():
                    fire_p(cc + 1)

                @pl.when(cc > 0)
                def _():
                    pb = (cc - 1) & 1
                    drain(pb * _CI, pb)
                    interp_chunk(cc - 1, pb * _CI, sv)

                @pl.when(jnp.logical_and(cc > 0, cc % _EB == 0))
                def _():
                    pltpu.sync_copy(
                        enc_v,
                        enc_hbm.at[
                            pl.ds(lg * _FEAT, _FEAT),
                            pl.ds(tbase + (cc // _EB - 1) * _EW, _EW),
                        ],
                    )

                return carry2

            lax.fori_loop(0, _NCH + 1, stage, 0)
            return carry

        lax.fori_loop(0, _LPC, level_pass, 0)

    return enc_kernel(p_flat, table_flat)


def _mlp(encT, W1, W2, W3p):
    nb = 4096
    grid = _N // nb

    def body(x_ref, w1_ref, w2_ref, w3_ref, o_ref):
        x = x_ref[...]
        h = jnp.maximum(jnp.dot(w1_ref[...], x, preferred_element_type=jnp.float32), 0.0)
        h = jnp.maximum(jnp.dot(w2_ref[...], h, preferred_element_type=jnp.float32), 0.0)
        o = jnp.dot(w3_ref[...], h, preferred_element_type=jnp.float32)
        o_ref[...] = jnp.transpose(o[:4, :].reshape(4, nb // 128, 128), (1, 0, 2))

    out3 = pl.pallas_call(
        body,
        grid=(grid,),
        in_specs=[
            pl.BlockSpec((32, nb), lambda i: (0, i)),
            pl.BlockSpec((32, 32), lambda i: (0, 0)),
            pl.BlockSpec((32, 32), lambda i: (0, 0)),
            pl.BlockSpec((8, 32), lambda i: (0, 0)),
        ],
        out_specs=pl.BlockSpec((nb // 128, 4, 128), lambda i: (i, 0, 0)),
        out_shape=jax.ShapeDtypeStruct((_N // 128, 4, 128), jnp.float32),
    )(encT, W1, W2, W3p)
    return out3


def kernel(p, hash_table, W1, W2, W3):
    p_flat = p.reshape(2048, 128, 3).transpose(0, 2, 1).reshape(-1)
    table_flat = hash_table.reshape(65536, 128, 2).transpose(0, 2, 1).reshape(-1)
    encT = _sc_encode(p_flat, table_flat)
    W3p = jnp.zeros((8, 32), W3.dtype).at[:4, :].set(W3)
    out3 = _mlp(encT, W1, W2, W3p)
    return out3.transpose(0, 2, 1).reshape(_N, 4)

# --- scband reference (transcript-rebuilt; emitter-appended) ---
"""Pipeline reference for scband-hash-decoder-33887291965609 (READ-ONLY COPY).

The authoritative reference and input builder live on the scoring server;
editing this copy changes nothing except your own understanding.
"""

import jax, jax.numpy as jnp
import numpy as np

NUM_LEVELS = 16
MIN_RES = 16
MAX_RES = 1024
TABLE_SIZE = 2 ** 19
FEATURES_PER_LEVEL = 2
N_POINTS = 262144

_growth = np.exp((np.log(MAX_RES) - np.log(MIN_RES)) / (NUM_LEVELS - 1))
SCALINGS = jnp.asarray(np.floor(MIN_RES * _growth ** np.arange(NUM_LEVELS)).astype(np.float32))
HASH_OFFSET = jnp.asarray((np.arange(NUM_LEVELS) * TABLE_SIZE).astype(np.uint32))
PRIMES = jnp.asarray(np.array([1, 2654435761, 805459861], dtype=np.uint32))


def _hash(coords):
    # coords: uint32 [..., NUM_LEVELS, 3]; lower 19 bits of the uint32-wrapped
    # product/xor match the torch int64 reference for nonnegative coords.
    c = coords * PRIMES
    x = jnp.bitwise_xor(c[..., 0], c[..., 1])
    x = jnp.bitwise_xor(x, c[..., 2])
    x = jnp.mod(x, jnp.uint32(TABLE_SIZE))
    x = x + HASH_OFFSET
    return x.astype(jnp.int32)


def _hash_encode(p, hash_table):
    scaled = p[..., None, :] * SCALINGS[:, None]  # [N, L, 3]
    scaled_c = jnp.ceil(scaled).astype(jnp.uint32)
    scaled_f = jnp.floor(scaled).astype(jnp.uint32)
    offset = scaled - jnp.floor(scaled)
    c0, c1, c2 = scaled_c[..., 0], scaled_c[..., 1], scaled_c[..., 2]
    f0, f1, f2 = scaled_f[..., 0], scaled_f[..., 1], scaled_f[..., 2]
    h0 = _hash(jnp.stack([c0, c1, c2], axis=-1))
    h1 = _hash(jnp.stack([c0, f1, c2], axis=-1))
    h2 = _hash(jnp.stack([f0, f1, c2], axis=-1))
    h3 = _hash(jnp.stack([f0, c1, c2], axis=-1))
    h4 = _hash(jnp.stack([c0, c1, f2], axis=-1))
    h5 = _hash(jnp.stack([c0, f1, f2], axis=-1))
    h6 = _hash(jnp.stack([f0, f1, f2], axis=-1))
    h7 = _hash(jnp.stack([f0, c1, f2], axis=-1))
    g0 = hash_table[h0]
    g1 = hash_table[h1]
    g2 = hash_table[h2]
    g3 = hash_table[h3]
    g4 = hash_table[h4]
    g5 = hash_table[h5]
    g6 = hash_table[h6]
    g7 = hash_table[h7]
    o0 = offset[..., 0:1]
    o1 = offset[..., 1:2]
    o2 = offset[..., 2:3]
    f_03 = g0 * o0 + g3 * (1 - o0)
    f_12 = g1 * o0 + g2 * (1 - o0)
    f_56 = g5 * o0 + g6 * (1 - o0)
    f_47 = g4 * o0 + g7 * (1 - o0)
    f0312 = f_03 * o1 + f_12 * (1 - o1)
    f4756 = f_47 * o1 + f_56 * (1 - o1)
    enc = f0312 * o2 + f4756 * (1 - o2)  # [N, L, F]
    return enc.reshape(enc.shape[:-2] + (NUM_LEVELS * FEATURES_PER_LEVEL,))


def setup_inputs(seed: int = 0):
    key = jax.random.key(seed)
    k1, k2, k3, k4, k5 = jax.random.split(key, 5)
    p = jax.random.uniform(k1, (N_POINTS, 3), dtype=jnp.float32)
    hash_table = (jax.random.uniform(k2, (TABLE_SIZE * NUM_LEVELS, FEATURES_PER_LEVEL), dtype=jnp.float32) * 2.0 - 1.0) * 0.001
    W1 = jax.random.normal(k3, (32, 32), dtype=jnp.float32) * 0.1
    W2 = jax.random.normal(k4, (32, 32), dtype=jnp.float32) * 0.1
    W3 = jax.random.normal(k5, (4, 32), dtype=jnp.float32) * 0.1
    return {"p": p, "hash_table": hash_table, "W1": W1, "W2": W2, "W3": W3}


def reference(p, hash_table, W1, W2, W3):
    # input_bounds is None -> no rescaling of p
    x = _hash_encode(p, hash_table)
    x = jax.nn.relu(x @ W1.T)
    x = jax.nn.relu(x @ W2.T)
    out = x @ W3.T
    return out

if __name__ == "__main__":
    import jax
    _d = setup_inputs()
    print(jax.jit(kernel)(*tuple(_d.values())))

</pallas_src>

<mosaic_0001>
#map = affine_map<(d0, d1) -> (0)>
#map1 = affine_map<(d0, d1) -> (0, 0)>
module attributes {stable_mosaic.version = 14 : i64} {
  func.func @enc_kernel(%arg0: i32, %arg1: i32, %arg2: memref<786432xf32, #tpu.memory_space<hbm>>, %arg3: memref<16777216xf32, #tpu.memory_space<hbm>>, %arg4: memref<32x262144xf32, #tpu.memory_space<hbm>>, %arg5: memref<1048576xf32, #tpu.memory_space<vmem_shared>>, %arg6: memref<4608xf32, #tpu.memory_space<vmem>>, %arg7: memref<16384xi32, #tpu.memory_space<vmem>>, %arg8: memref<16384xf32, #tpu.memory_space<vmem>>, %arg9: memref<2x4096xf32, #tpu.memory_space<vmem>>, %arg10: memref<3072xf32, #tpu.memory_space<vmem>>, %arg11: memref<!tpu.dma_semaphore, #tpu.memory_space<semaphore_mem>>, %arg12: memref<!tpu.dma_semaphore, #tpu.memory_space<semaphore_mem>>, %arg13: memref<!tpu.dma_semaphore, #tpu.memory_space<semaphore_mem>>, %arg14: memref<!tpu.dma_semaphore, #tpu.memory_space<semaphore_mem>>, %arg15: memref<!tpu.dma_semaphore, #tpu.memory_space<semaphore_mem>>) attributes {dimension_semantics = [#tpu.dimension_semantics<core_parallel>, #tpu.dimension_semantics<subcore_parallel>], iteration_bounds = array<i64: 2, 16>, scalar_prefetch = 0 : i64, scratch_operands = 11 : i64, tpu.core_type = #tpu.core_type<sc_vector_subcore>, window_params = [{transform_indices = #map}, {transform_indices = #map}, {transform_indices = #map1}]} {
    %mul3A = arith.constant 16384 : i32
    %mul3A_0 = arith.muli %arg1, %mul3A : i32
    %scan3A = arith.constant 0 : i32
    %scan3A_1 = arith.constant 0 : i32
    %scan3A_2 = arith.constant 8 : i32
    %scan3A_3 = arith.addi %scan3A_1, %scan3A_2 : i32
    %scan3A_4 = arith.constant 1 : i32
    scf.for %scan3A_6 = %scan3A_1 to %scan3A_3 step %scan3A_4  : i32 {
      %mul3A_7 = arith.constant 8 : i32
      %mul3A_8 = arith.muli %arg0, %mul3A_7 : i32
      %add3A = arith.addi %mul3A_8, %scan3A_6 : i32
      %rem3A = arith.constant 0 : i32
      %rem3A_9 = arith.constant 3 : i32
      %rem3A_10 = arith.remsi %rem3A, %rem3A_9 : i32
      %eq3A = arith.constant 0 : i32
      %eq3A_11 = arith.cmpi eq, %rem3A_10, %eq3A : i32
      %convert_element_type3A = arith.extui %eq3A_11 : i1 to i32
      %cond3A = arith.constant 0 : i32
      %cond3A_12 = arith.cmpi ne, %convert_element_type3A, %cond3A : i32
      scf.if %cond3A_12 {
        %add3A_133 = arith.constant 0 : i32
        %add3A_134 = arith.addi %mul3A_0, %add3A_133 : i32
        %mul3A_135 = arith.constant 3 : i32
        %mul3A_136 = arith.muli %add3A_134, %mul3A_135 : i32
        %dma_start3A = arith.constant 0 : i32
        %dma_start3A_137 = tpu.memref_slice %arg6[%dma_start3A] : memref<4608xf32, #tpu.memory_space<vmem>> -> memref<1536xf32, #tpu.memory_space<vmem>>
        %dma_start3A_138 = tpu.memref_slice %arg2[%mul3A_136] : memref<786432xf32, #tpu.memory_space<hbm>> -> memref<1536xf32, #tpu.memory_space<hbm>>
        %dma_start3A_139 = arith.constant 0 : i32
        %dma_start3A_140 = tpu.memref_slice %arg6[%dma_start3A_139] : memref<4608xf32, #tpu.memory_space<vmem>> -> memref<1536xf32, #tpu.memory_space<vmem>>
        %dma_start3A_141 = tpu.memref_slice %arg2[%mul3A_136] : memref<786432xf32, #tpu.memory_space<hbm>> -> memref<1536xf32, #tpu.memory_space<hbm>>
        tpu.enqueue_dma source(%dma_start3A_141 : memref<1536xf32, #tpu.memory_space<hbm>>) target(%dma_start3A_140 : memref<1536xf32, #tpu.memory_space<vmem>>) target_semaphore(%arg13 : memref<!tpu.dma_semaphore, #tpu.memory_space<semaphore_mem>>)
      } else {
      }
      %eq3A_13 = arith.constant 1 : i32
      %eq3A_14 = arith.cmpi eq, %rem3A_10, %eq3A_13 : i32
      %convert_element_type3A_15 = arith.extui %eq3A_14 : i1 to i32
      %cond3A_16 = arith.constant 0 : i32
      %cond3A_17 = arith.cmpi ne, %convert_element_type3A_15, %cond3A_16 : i32
      scf.if %cond3A_17 {
        %add3A_133 = arith.constant 0 : i32
        %add3A_134 = arith.addi %mul3A_0, %add3A_133 : i32
        %mul3A_135 = arith.constant 3 : i32
        %mul3A_136 = arith.muli %add3A_134, %mul3A_135 : i32
        %dma_start3A = arith.constant 1536 : i32
        %dma_start3A_137 = tpu.memref_slice %arg6[%dma_start3A] : memref<4608xf32, #tpu.memory_space<vmem>> -> memref<1536xf32, #tpu.memory_space<vmem>>
        %dma_start3A_138 = tpu.memref_slice %arg2[%mul3A_136] : memref<786432xf32, #tpu.memory_space<hbm>> -> memref<1536xf32, #tpu.memory_space<hbm>>
        %dma_start3A_139 = arith.constant 1536 : i32
        %dma_start3A_140 = tpu.memref_slice %arg6[%dma_start3A_139] : memref<4608xf32, #tpu.memory_space<vmem>> -> memref<1536xf32, #tpu.memory_space<vmem>>
        %dma_start3A_141 = tpu.memref_slice %arg2[%mul3A_136] : memref<786432xf32, #tpu.memory_space<hbm>> -> memref<1536xf32, #tpu.memory_space<hbm>>
        tpu.enqueue_dma source(%dma_start3A_141 : memref<1536xf32, #tpu.memory_space<hbm>>) target(%dma_start3A_140 : memref<1536xf32, #tpu.memory_space<vmem>>) target_semaphore(%arg14 : memref<!tpu.dma_semaphore, #tpu.memory_space<semaphore_mem>>)
      } else {
      }
      %eq3A_18 = arith.constant 2 : i32
      %eq3A_19 = arith.cmpi eq, %rem3A_10, %eq3A_18 : i32
      %convert_element_type3A_20 = arith.extui %eq3A_19 : i1 to i32
      %cond3A_21 = arith.constant 0 : i32
      %cond3A_22 = arith.cmpi ne, %convert_element_type3A_20, %cond3A_21 : i32
      scf.if %cond3A_22 {
        %add3A_133 = arith.constant 0 : i32
        %add3A_134 = arith.addi %mul3A_0, %add3A_133 : i32
        %mul3A_135 = arith.constant 3 : i32
        %mul3A_136 = arith.muli %add3A_134, %mul3A_135 : i32
        %dma_start3A = arith.constant 3072 : i32
        %dma_start3A_137 = tpu.memref_slice %arg6[%dma_start3A] : memref<4608xf32, #tpu.memory_space<vmem>> -> memref<1536xf32, #tpu.memory_space<vmem>>
        %dma_start3A_138 = tpu.memref_slice %arg2[%mul3A_136] : memref<786432xf32, #tpu.memory_space<hbm>> -> memref<1536xf32, #tpu.memory_space<hbm>>
        %dma_start3A_139 = arith.constant 3072 : i32
        %dma_start3A_140 = tpu.memref_slice %arg6[%dma_start3A_139] : memref<4608xf32, #tpu.memory_space<vmem>> -> memref<1536xf32, #tpu.memory_space<vmem>>
        %dma_start3A_141 = tpu.memref_slice %arg2[%mul3A_136] : memref<786432xf32, #tpu.memory_space<hbm>> -> memref<1536xf32, #tpu.memory_space<hbm>>
        tpu.enqueue_dma source(%dma_start3A_141 : memref<1536xf32, #tpu.memory_space<hbm>>) target(%dma_start3A_140 : memref<1536xf32, #tpu.memory_space<vmem>>) target_semaphore(%arg15 : memref<!tpu.dma_semaphore, #tpu.memory_space<semaphore_mem>>)
      } else {
      }
      %barrier3A = arith.constant 0 : index
      tpu.barrier barrier_id(%barrier3A)
      %mul3A_23 = arith.constant 1048576 : i32
      %mul3A_24 = arith.muli %add3A, %mul3A_23 : i32
      %mul3A_25 = arith.constant 65536 : i32
      %mul3A_26 = arith.muli %arg1, %mul3A_25 : i32
      %add3A_27 = arith.addi %mul3A_24, %mul3A_26 : i32
      %mul3A_28 = arith.constant 65536 : i32
      %mul3A_29 = arith.muli %arg1, %mul3A_28 : i32
      "tpu.region"() ({
        %run_scoped3A = tpu.sem_alloc : memref<!tpu.dma_semaphore, #tpu.memory_space<semaphore_mem>>
        %dma_start3A = tpu.memref_slice %arg5[%mul3A_29] : memref<1048576xf32, #tpu.memory_space<vmem_shared>> -> memref<65536xf32, #tpu.memory_space<vmem_shared>>
        %dma_start3A_133 = tpu.memref_slice %arg3[%add3A_27] : memref<16777216xf32, #tpu.memory_space<hbm>> -> memref<65536xf32, #tpu.memory_space<hbm>>
        tpu.enqueue_dma source(%dma_start3A_133 : memref<65536xf32, #tpu.memory_space<hbm>>) target(%dma_start3A : memref<65536xf32, #tpu.memory_space<vmem_shared>>) target_semaphore(%run_scoped3A : memref<!tpu.dma_semaphore, #tpu.memory_space<semaphore_mem>>)
        %dma_wait3A = tpu.memref_slice %arg5[%mul3A_29] : memref<1048576xf32, #tpu.memory_space<vmem_shared>> -> memref<65536xf32, #tpu.memory_space<vmem_shared>>
        %dma_wait3A_134 = tpu.memref_slice %arg3[%add3A_27] : memref<16777216xf32, #tpu.memory_space<hbm>> -> memref<65536xf32, #tpu.memory_space<hbm>>
        tpu.wait_dma2 semaphore(%run_scoped3A : memref<!tpu.dma_semaphore, #tpu.memory_space<semaphore_mem>>) src(%dma_wait3A_134 : memref<65536xf32, #tpu.memory_space<hbm>>) dst(%dma_wait3A : memref<65536xf32, #tpu.memory_space<vmem_shared>>)
        tpu.yield
      }) : () -> ()
      %barrier3A_30 = arith.constant 0 : index
      tpu.barrier barrier_id(%barrier3A_30)
      %broadcast_in_dim3A = vector.broadcast %add3A : i32 to vector<16xi32>
      %broadcast_in_dim3A_31 = arith.constant 0.000000e+00 : f32
      %broadcast_in_dim3A_32 = vector.broadcast %broadcast_in_dim3A_31 : f32 to vector<16xf32>
      %eq3A_33 = arith.constant 0 : i32
      %eq3A_34 = vector.broadcast %eq3A_33 : i32 to vector<16xi32>
      %eq3A_35 = arith.cmpi eq, %broadcast_in_dim3A, %eq3A_34 : vector<16xi32>
      %jit3A = arith.constant 1.600000e+01 : f32
      %broadcast_in_dim3A_36 = vector.broadcast %jit3A : f32 to vector<16xf32>
      %select_n3A = arith.select %eq3A_35, %broadcast_in_dim3A_36, %broadcast_in_dim3A_32 : vector<16xi1>, vector<16xf32>
      %eq3A_37 = arith.constant 1 : i32
      %eq3A_38 = vector.broadcast %eq3A_37 : i32 to vector<16xi32>
      %eq3A_39 = arith.cmpi eq, %broadcast_in_dim3A, %eq3A_38 : vector<16xi32>
      %jit3A_40 = arith.constant 2.100000e+01 : f32
      %broadcast_in_dim3A_41 = vector.broadcast %jit3A_40 : f32 to vector<16xf32>
      %select_n3A_42 = arith.select %eq3A_39, %broadcast_in_dim3A_41, %select_n3A : vector<16xi1>, vector<16xf32>
      %eq3A_43 = arith.constant 2 : i32
      %eq3A_44 = vector.broadcast %eq3A_43 : i32 to vector<16xi32>
      %eq3A_45 = arith.cmpi eq, %broadcast_in_dim3A, %eq3A_44 : vector<16xi32>
      %jit3A_46 = arith.constant 2.700000e+01 : f32
      %broadcast_in_dim3A_47 = vector.broadcast %jit3A_46 : f32 to vector<16xf32>
      %select_n3A_48 = arith.select %eq3A_45, %broadcast_in_dim3A_47, %select_n3A_42 : vector<16xi1>, vector<16xf32>
      %eq3A_49 = arith.constant 3 : i32
      %eq3A_50 = vector.broadcast %eq3A_49 : i32 to vector<16xi32>
      %eq3A_51 = arith.cmpi eq, %broadcast_in_dim3A, %eq3A_50 : vector<16xi32>
      %jit3A_52 = arith.constant 3.600000e+01 : f32
      %broadcast_in_dim3A_53 = vector.broadcast %jit3A_52 : f32 to vector<16xf32>
      %select_n3A_54 = arith.select %eq3A_51, %broadcast_in_dim3A_53, %select_n3A_48 : vector<16xi1>, vector<16xf32>
      %eq3A_55 = arith.constant 4 : i32
      %eq3A_56 = vector.broadcast %eq3A_55 : i32 to vector<16xi32>
      %eq3A_57 = arith.cmpi eq, %broadcast_in_dim3A, %eq3A_56 : vector<16xi32>
      %jit3A_58 = arith.constant 4.800000e+01 : f32
      %broadcast_in_dim3A_59 = vector.broadcast %jit3A_58 : f32 to vector<16xf32>
      %select_n3A_60 = arith.select %eq3A_57, %broadcast_in_dim3A_59, %select_n3A_54 : vector<16xi1>, vector<16xf32>
      %eq3A_61 = arith.constant 5 : i32
      %eq3A_62 = vector.broadcast %eq3A_61 : i32 to vector<16xi32>
      %eq3A_63 = arith.cmpi eq, %broadcast_in_dim3A, %eq3A_62 : vector<16xi32>
      %jit3A_64 = arith.constant 6.300000e+01 : f32
      %broadcast_in_dim3A_65 = vector.broadcast %jit3A_64 : f32 to vector<16xf32>
      %select_n3A_66 = arith.select %eq3A_63, %broadcast_in_dim3A_65, %select_n3A_60 : vector<16xi1>, vector<16xf32>
      %eq3A_67 = arith.constant 6 : i32
      %eq3A_68 = vector.broadcast %eq3A_67 : i32 to vector<16xi32>
      %eq3A_69 = arith.cmpi eq, %broadcast_in_dim3A, %eq3A_68 : vector<16xi32>
      %jit3A_70 = arith.constant 8.400000e+01 : f32
      %broadcast_in_dim3A_71 = vector.broadcast %jit3A_70 : f32 to vector<16xf32>
      %select_n3A_72 = arith.select %eq3A_69, %broadcast_in_dim3A_71, %select_n3A_66 : vector<16xi1>, vector<16xf32>
      %eq3A_73 = arith.constant 7 : i32
      %eq3A_74 = vector.broadcast %eq3A_73 : i32 to vector<16xi32>
      %eq3A_75 = arith.cmpi eq, %broadcast_in_dim3A, %eq3A_74 : vector<16xi32>
      %jit3A_76 = arith.constant 1.110000e+02 : f32
      %broadcast_in_dim3A_77 = vector.broadcast %jit3A_76 : f32 to vector<16xf32>
      %select_n3A_78 = arith.select %eq3A_75, %broadcast_in_dim3A_77, %select_n3A_72 : vector<16xi1>, vector<16xf32>
      %eq3A_79 = arith.constant 8 : i32
      %eq3A_80 = vector.broadcast %eq3A_79 : i32 to vector<16xi32>
      %eq3A_81 = arith.cmpi eq, %broadcast_in_dim3A, %eq3A_80 : vector<16xi32>
      %jit3A_82 = arith.constant 1.470000e+02 : f32
      %broadcast_in_dim3A_83 = vector.broadcast %jit3A_82 : f32 to vector<16xf32>
      %select_n3A_84 = arith.select %eq3A_81, %broadcast_in_dim3A_83, %select_n3A_78 : vector<16xi1>, vector<16xf32>
      %eq3A_85 = arith.constant 9 : i32
      %eq3A_86 = vector.broadcast %eq3A_85 : i32 to vector<16xi32>
      %eq3A_87 = arith.cmpi eq, %broadcast_in_dim3A, %eq3A_86 : vector<16xi32>
      %jit3A_88 = arith.constant 1.940000e+02 : f32
      %broadcast_in_dim3A_89 = vector.broadcast %jit3A_88 : f32 to vector<16xf32>
      %select_n3A_90 = arith.select %eq3A_87, %broadcast_in_dim3A_89, %select_n3A_84 : vector<16xi1>, vector<16xf32>
      %eq3A_91 = arith.constant 10 : i32
      %eq3A_92 = vector.broadcast %eq3A_91 : i32 to vector<16xi32>
      %eq3A_93 = arith.cmpi eq, %broadcast_in_dim3A, %eq3A_92 : vector<16xi32>
      %jit3A_94 = arith.constant 2.550000e+02 : f32
      %broadcast_in_dim3A_95 = vector.broadcast %jit3A_94 : f32 to vector<16xf32>
      %select_n3A_96 = arith.select %eq3A_93, %broadcast_in_dim3A_95, %select_n3A_90 : vector<16xi1>, vector<16xf32>
      %eq3A_97 = arith.constant 11 : i32
      %eq3A_98 = vector.broadcast %eq3A_97 : i32 to vector<16xi32>
      %eq3A_99 = arith.cmpi eq, %broadcast_in_dim3A, %eq3A_98 : vector<16xi32>
      %jit3A_100 = arith.constant 3.370000e+02 : f32
      %broadcast_in_dim3A_101 = vector.broadcast %jit3A_100 : f32 to vector<16xf32>
      %select_n3A_102 = arith.select %eq3A_99, %broadcast_in_dim3A_101, %select_n3A_96 : vector<16xi1>, vector<16xf32>
      %eq3A_103 = arith.constant 12 : i32
      %eq3A_104 = vector.broadcast %eq3A_103 : i32 to vector<16xi32>
      %eq3A_105 = arith.cmpi eq, %broadcast_in_dim3A, %eq3A_104 : vector<16xi32>
      %jit3A_106 = arith.constant 4.450000e+02 : f32
      %broadcast_in_dim3A_107 = vector.broadcast %jit3A_106 : f32 to vector<16xf32>
      %select_n3A_108 = arith.select %eq3A_105, %broadcast_in_dim3A_107, %select_n3A_102 : vector<16xi1>, vector<16xf32>
      %eq3A_109 = arith.constant 13 : i32
      %eq3A_110 = vector.broadcast %eq3A_109 : i32 to vector<16xi32>
      %eq3A_111 = arith.cmpi eq, %broadcast_in_dim3A, %eq3A_110 : vector<16xi32>
      %jit3A_112 = arith.constant 5.880000e+02 : f32
      %broadcast_in_dim3A_113 = vector.broadcast %jit3A_112 : f32 to vector<16xf32>
      %select_n3A_114 = arith.select %eq3A_111, %broadcast_in_dim3A_113, %select_n3A_108 : vector<16xi1>, vector<16xf32>
      %eq3A_115 = arith.constant 14 : i32
      %eq3A_116 = vector.broadcast %eq3A_115 : i32 to vector<16xi32>
      %eq3A_117 = arith.cmpi eq, %broadcast_in_dim3A, %eq3A_116 : vector<16xi32>
      %jit3A_118 = arith.constant 7.760000e+02 : f32
      %broadcast_in_dim3A_119 = vector.broadcast %jit3A_118 : f32 to vector<16xf32>
      %select_n3A_120 = arith.select %eq3A_117, %broadcast_in_dim3A_119, %select_n3A_114 : vector<16xi1>, vector<16xf32>
      %eq3A_121 = arith.constant 15 : i32
      %eq3A_122 = vector.broadcast %eq3A_121 : i32 to vector<16xi32>
      %eq3A_123 = arith.cmpi eq, %broadcast_in_dim3A, %eq3A_122 : vector<16xi32>
      %jit3A_124 = arith.constant 1.023000e+03 : f32
      %broadcast_in_dim3A_125 = vector.broadcast %jit3A_124 : f32 to vector<16xf32>
      %select_n3A_126 = arith.select %eq3A_123, %broadcast_in_dim3A_125, %select_n3A_120 : vector<16xi1>, vector<16xf32>
      %scan3A_127 = arith.constant 0 : i32
      %scan3A_128 = arith.constant 0 : i32
      %scan3A_129 = arith.constant 33 : i32
      %scan3A_130 = arith.addi %scan3A_128, %scan3A_129 : i32
      %scan3A_131 = arith.constant 1 : i32
      scf.for %scan3A_133 = %scan3A_128 to %scan3A_130 step %scan3A_131  : i32 {
        %and3A = arith.constant 1 : i32
        %and3A_134 = arith.andi %scan3A_133, %and3A : i32
        %mul3A_135 = arith.constant 8192 : i32
        %mul3A_136 = arith.muli %and3A_134, %mul3A_135 : i32
        %lt3A = arith.constant 32 : i32
        %lt3A_137 = arith.cmpi slt, %scan3A_133, %lt3A : i32
        %convert_element_type3A_138 = arith.extui %lt3A_137 : i1 to i32
        %cond3A_139 = arith.constant 0 : i32
        %cond3A_140 = arith.cmpi ne, %convert_element_type3A_138, %cond3A_139 : i32
        scf.if %cond3A_140 {
          %rem3A_175 = arith.constant 3 : i32
          %rem3A_176 = arith.remsi %scan3A_133, %rem3A_175 : i32
          %eq3A_177 = arith.constant 0 : i32
          %eq3A_178 = arith.cmpi eq, %rem3A_176, %eq3A_177 : i32
          %convert_element_type3A_179 = arith.extui %eq3A_178 : i1 to i32
          %cond3A_180 = arith.constant 0 : i32
          %cond3A_181 = arith.cmpi ne, %convert_element_type3A_179, %cond3A_180 : i32
          scf.if %cond3A_181 {
            %mul3A_212 = arith.constant 512 : i32
            %mul3A_213 = arith.muli %scan3A_133, %mul3A_212 : i32
            %add3A_214 = arith.addi %mul3A_0, %mul3A_213 : i32
            %mul3A_215 = arith.constant 3 : i32
            %mul3A_216 = arith.muli %add3A_214, %mul3A_215 : i32
            %dma_wait3A = arith.constant 0 : i32
            %dma_wait3A_217 = tpu.memref_slice %arg6[%dma_wait3A] : memref<4608xf32, #tpu.memory_space<vmem>> -> memref<1536xf32, #tpu.memory_space<vmem>>
            %dma_wait3A_218 = tpu.memref_slice %arg2[%mul3A_216] : memref<786432xf32, #tpu.memory_space<hbm>> -> memref<1536xf32, #tpu.memory_space<hbm>>
            %dma_wait3A_219 = arith.constant 0 : i32
            %dma_wait3A_220 = tpu.memref_slice %arg6[%dma_wait3A_219] : memref<4608xf32, #tpu.memory_space<vmem>> -> memref<1536xf32, #tpu.memory_space<vmem>>
            %dma_wait3A_221 = tpu.memref_slice %arg2[%mul3A_216] : memref<786432xf32, #tpu.memory_space<hbm>> -> memref<1536xf32, #tpu.memory_space<hbm>>
            tpu.wait_dma2 semaphore(%arg13 : memref<!tpu.dma_semaphore, #tpu.memory_space<semaphore_mem>>) src(%dma_wait3A_221 : memref<1536xf32, #tpu.memory_space<hbm>>) dst(%dma_wait3A_220 : memref<1536xf32, #tpu.memory_space<vmem>>)
          } else {
          }
          %eq3A_182 = arith.constant 1 : i32
          %eq3A_183 = arith.cmpi eq, %rem3A_176, %eq3A_182 : i32
          %convert_element_type3A_184 = arith.extui %eq3A_183 : i1 to i32
          %cond3A_185 = arith.constant 0 : i32
          %cond3A_186 = arith.cmpi ne, %convert_element_type3A_184, %cond3A_185 : i32
          scf.if %cond3A_186 {
            %mul3A_212 = arith.constant 512 : i32
            %mul3A_213 = arith.muli %scan3A_133, %mul3A_212 : i32
            %add3A_214 = arith.addi %mul3A_0, %mul3A_213 : i32
            %mul3A_215 = arith.constant 3 : i32
            %mul3A_216 = arith.muli %add3A_214, %mul3A_215 : i32
            %dma_wait3A = arith.constant 1536 : i32
            %dma_wait3A_217 = tpu.memref_slice %arg6[%dma_wait3A] : memref<4608xf32, #tpu.memory_space<vmem>> -> memref<1536xf32, #tpu.memory_space<vmem>>
            %dma_wait3A_218 = tpu.memref_slice %arg2[%mul3A_216] : memref<786432xf32, #tpu.memory_space<hbm>> -> memref<1536xf32, #tpu.memory_space<hbm>>
            %dma_wait3A_219 = arith.constant 1536 : i32
            %dma_wait3A_220 = tpu.memref_slice %arg6[%dma_wait3A_219] : memref<4608xf32, #tpu.memory_space<vmem>> -> memref<1536xf32, #tpu.memory_space<vmem>>
            %dma_wait3A_221 = tpu.memref_slice %arg2[%mul3A_216] : memref<786432xf32, #tpu.memory_space<hbm>> -> memref<1536xf32, #tpu.memory_space<hbm>>
            tpu.wait_dma2 semaphore(%arg14 : memref<!tpu.dma_semaphore, #tpu.memory_space<semaphore_mem>>) src(%dma_wait3A_221 : memref<1536xf32, #tpu.memory_space<hbm>>) dst(%dma_wait3A_220 : memref<1536xf32, #tpu.memory_space<vmem>>)
          } else {
          }
          %eq3A_187 = arith.constant 2 : i32
          %eq3A_188 = arith.cmpi eq, %rem3A_176, %eq3A_187 : i32
          %convert_element_type3A_189 = arith.extui %eq3A_188 : i1 to i32
          %cond3A_190 = arith.constant 0 : i32
          %cond3A_191 = arith.cmpi ne, %convert_element_type3A_189, %cond3A_190 : i32
          scf.if %cond3A_191 {
            %mul3A_212 = arith.constant 512 : i32
            %mul3A_213 = arith.muli %scan3A_133, %mul3A_212 : i32
            %add3A_214 = arith.addi %mul3A_0, %mul3A_213 : i32
            %mul3A_215 = arith.constant 3 : i32
            %mul3A_216 = arith.muli %add3A_214, %mul3A_215 : i32
            %dma_wait3A = arith.constant 3072 : i32
            %dma_wait3A_217 = tpu.memref_slice %arg6[%dma_wait3A] : memref<4608xf32, #tpu.memory_space<vmem>> -> memref<1536xf32, #tpu.memory_space<vmem>>
            %dma_wait3A_218 = tpu.memref_slice %arg2[%mul3A_216] : memref<786432xf32, #tpu.memory_space<hbm>> -> memref<1536xf32, #tpu.memory_space<hbm>>
            %dma_wait3A_219 = arith.constant 3072 : i32
            %dma_wait3A_220 = tpu.memref_slice %arg6[%dma_wait3A_219] : memref<4608xf32, #tpu.memory_space<vmem>> -> memref<1536xf32, #tpu.memory_space<vmem>>
            %dma_wait3A_221 = tpu.memref_slice %arg2[%mul3A_216] : memref<786432xf32, #tpu.memory_space<hbm>> -> memref<1536xf32, #tpu.memory_space<hbm>>
            tpu.wait_dma2 semaphore(%arg15 : memref<!tpu.dma_semaphore, #tpu.memory_space<semaphore_mem>>) src(%dma_wait3A_221 : memref<1536xf32, #tpu.memory_space<hbm>>) dst(%dma_wait3A_220 : memref<1536xf32, #tpu.memory_space<vmem>>)
          } else {
          }
          %rem3A_192 = arith.constant 3 : i32
          %rem3A_193 = arith.remsi %scan3A_133, %rem3A_192 : i32
          %mul3A_194 = arith.constant 1536 : i32
          %mul3A_195 = arith.muli %rem3A_193, %mul3A_194 : i32
          %scan3A_196 = arith.constant 0 : i32
          %scan3A_197 = arith.constant 0 : i32
          %scan3A_198 = arith.constant 16 : i32
          %scan3A_199 = arith.addi %scan3A_197, %scan3A_198 : i32
          %scan3A_200 = arith.constant 1 : i32
          scf.for %scan3A_212 = %scan3A_197 to %scan3A_199 step %scan3A_200  : i32 {
            %mul3A_213 = arith.constant 2 : i32
            %mul3A_214 = arith.muli %scan3A_212, %mul3A_213 : i32
            %mul3A_215 = arith.constant 16 : i32
            %mul3A_216 = arith.muli %mul3A_214, %mul3A_215 : i32
            %shift_right_arithmetic3A = arith.constant 7 : i32
            %shift_right_arithmetic3A_217 = arith.shrsi %mul3A_216, %shift_right_arithmetic3A : i32
            %mul3A_218 = arith.constant 384 : i32
            %mul3A_219 = arith.muli %shift_right_arithmetic3A_217, %mul3A_218 : i32
            %add3A_220 = arith.addi %mul3A_195, %mul3A_219 : i32
            %and3A_221 = arith.constant 127 : i32
            %and3A_222 = arith.andi %mul3A_216, %and3A_221 : i32
            %add3A_223 = arith.addi %add3A_220, %and3A_222 : i32
            %get3A = arith.index_cast %add3A_223 : i32 to index
            %get3A_224 = tpu.vector_load %arg6[%get3A] {strides = array<i32>} : memref<4608xf32, #tpu.memory_space<vmem>>, vector<16xf32>,
            %get3A_225 = vector.shape_cast %get3A_224 : vector<16xf32> to vector<16xf32>
            %add3A_226 = arith.constant 128 : i32
            %add3A_227 = arith.addi %add3A_223, %add3A_226 : i32
            %get3A_228 = arith.index_cast %add3A_227 : i32 to index
            %get3A_229 = tpu.vector_load %arg6[%get3A_228] {strides = array<i32>} : memref<4608xf32, #tpu.memory_space<vmem>>, vector<16xf32>,
            %get3A_230 = vector.shape_cast %get3A_229 : vector<16xf32> to vector<16xf32>
            %add3A_231 = arith.constant 256 : i32
            %add3A_232 = arith.addi %add3A_223, %add3A_231 : i32
            %get3A_233 = arith.index_cast %add3A_232 : i32 to index
            %get3A_234 = tpu.vector_load %arg6[%get3A_233] {strides = array<i32>} : memref<4608xf32, #tpu.memory_space<vmem>>, vector<16xf32>,
            %get3A_235 = vector.shape_cast %get3A_234 : vector<16xf32> to vector<16xf32>
            %mul3A_236 = arith.mulf %get3A_225, %select_n3A_126 : vector<16xf32>
            %convert_element_type3A_237 = arith.fptosi %mul3A_236 : vector<16xf32> to vector<16xi32>
            %convert_element_type3A_238 = arith.sitofp %convert_element_type3A_237 : vector<16xi32> to vector<16xf32>
            %eq3A_239 = arith.cmpf oeq, %mul3A_236, %convert_element_type3A_238 : vector<16xf32>
            %add3A_240 = arith.constant 1 : i32
            %add3A_241 = vector.broadcast %add3A_240 : i32 to vector<16xi32>
            %add3A_242 = arith.addi %convert_element_type3A_237, %add3A_241 : vector<16xi32>
            %select_n3A_243 = arith.select %eq3A_239, %convert_element_type3A_237, %add3A_242 : vector<16xi1>, vector<16xi32>
            %sub3A = arith.subf %mul3A_236, %convert_element_type3A_238 : vector<16xf32>
            %mul3A_244 = arith.mulf %get3A_230, %select_n3A_126 : vector<16xf32>
            %convert_element_type3A_245 = arith.fptosi %mul3A_244 : vector<16xf32> to vector<16xi32>
            %convert_element_type3A_246 = arith.sitofp %convert_element_type3A_245 : vector<16xi32> to vector<16xf32>
            %eq3A_247 = arith.cmpf oeq, %mul3A_244, %convert_element_type3A_246 : vector<16xf32>
            %add3A_248 = arith.constant 1 : i32
            %add3A_249 = vector.broadcast %add3A_248 : i32 to vector<16xi32>
            %add3A_250 = arith.addi %convert_element_type3A_245, %add3A_249 : vector<16xi32>
            %select_n3A_251 = arith.select %eq3A_247, %convert_element_type3A_245, %add3A_250 : vector<16xi1>, vector<16xi32>
            %sub3A_252 = arith.subf %mul3A_244, %convert_element_type3A_246 : vector<16xf32>
            %mul3A_253 = arith.mulf %get3A_235, %select_n3A_126 : vector<16xf32>
            %convert_element_type3A_254 = arith.fptosi %mul3A_253 : vector<16xf32> to vector<16xi32>
            %convert_element_type3A_255 = arith.sitofp %convert_element_type3A_254 : vector<16xi32> to vector<16xf32>
            %eq3A_256 = arith.cmpf oeq, %mul3A_253, %convert_element_type3A_255 : vector<16xf32>
            %add3A_257 = arith.constant 1 : i32
            %add3A_258 = vector.broadcast %add3A_257 : i32 to vector<16xi32>
            %add3A_259 = arith.addi %convert_element_type3A_254, %add3A_258 : vector<16xi32>
            %select_n3A_260 = arith.select %eq3A_256, %convert_element_type3A_254, %add3A_259 : vector<16xi1>, vector<16xi32>
            %sub3A_261 = arith.subf %mul3A_253, %convert_element_type3A_255 : vector<16xf32>
            %mul3A_262 = arith.constant 16 : i32
            %mul3A_263 = arith.muli %mul3A_214, %mul3A_262 : i32
            %jit3A_264 = arith.constant 8192 : i32
            %div3A = arith.divsi %mul3A_136, %jit3A_264 : i32
            %sign3A = arith.constant 0 : i32
            %sign3A_265 = arith.cmpi sgt, %mul3A_136, %sign3A : i32
            %sign3A_266 = arith.extui %sign3A_265 : i1 to i32
            %sign3A_267 = arith.constant 0 : i32
            %sign3A_268 = arith.cmpi slt, %mul3A_136, %sign3A_267 : i32
            %sign3A_269 = arith.extui %sign3A_268 : i1 to i32
            %sign3A_270 = arith.subi %sign3A_266, %sign3A_269 : i32
            %sign3A_271 = arith.constant 0 : i32
            %sign3A_272 = arith.cmpi sgt, %jit3A_264, %sign3A_271 : i32
            %sign3A_273 = arith.extui %sign3A_272 : i1 to i32
            %sign3A_274 = arith.constant 0 : i32
            %sign3A_275 = arith.cmpi slt, %jit3A_264, %sign3A_274 : i32
            %sign3A_276 = arith.extui %sign3A_275 : i1 to i32
            %sign3A_277 = arith.subi %sign3A_273, %sign3A_276 : i32
            %ne3A_278 = arith.cmpi ne, %sign3A_270, %sign3A_277 : i32
            %rem3A_279 = arith.remsi %mul3A_136, %jit3A_264 : i32
            %ne3A_280 = arith.constant 0 : i32
            %ne3A_281 = arith.cmpi ne, %rem3A_279, %ne3A_280 : i32
            %and3A_282 = arith.andi %ne3A_278, %ne3A_281 : i1
            %sub3A_283 = arith.constant 1 : i32
            %sub3A_284 = arith.subi %div3A, %sub3A_283 : i32
            %select_n3A_285 = arith.select %and3A_282, %sub3A_284, %div3A : i32
            %mul3A_286 = arith.constant 3 : i32
            %mul3A_287 = arith.muli %select_n3A_285, %mul3A_286 : i32
            %mul3A_288 = arith.constant 512 : i32
            %mul3A_289 = arith.muli %mul3A_287, %mul3A_288 : i32
            %add3A_290 = arith.addi %mul3A_289, %mul3A_263 : i32
            %swap3A = arith.index_cast %add3A_290 : i32 to index
            %swap3A_291 = tpu.vector_load %arg10[%swap3A] {strides = array<i32>} : memref<3072xf32, #tpu.memory_space<vmem>>, vector<16xf32>,
            %swap3A_292 = vector.shape_cast %swap3A_291 : vector<16xf32> to vector<16xf32>
            %swap3A_293 = vector.shape_cast %sub3A : vector<16xf32> to vector<16xf32>
            tpu.vector_store %arg10[%swap3A], %swap3A_293 {strides = array<i32>} : memref<3072xf32, #tpu.memory_space<vmem>>, vector<16xf32>,
            %add3A_294 = arith.constant 512 : i32
            %add3A_295 = arith.addi %mul3A_289, %add3A_294 : i32
            %add3A_296 = arith.addi %add3A_295, %mul3A_263 : i32
            %swap3A_297 = arith.index_cast %add3A_296 : i32 to index
            %swap3A_298 = tpu.vector_load %arg10[%swap3A_297] {strides = array<i32>} : memref<3072xf32, #tpu.memory_space<vmem>>, vector<16xf32>,
            %swap3A_299 = vector.shape_cast %swap3A_298 : vector<16xf32> to vector<16xf32>
            %swap3A_300 = vector.shape_cast %sub3A_252 : vector<16xf32> to vector<16xf32>
            tpu.vector_store %arg10[%swap3A_297], %swap3A_300 {strides = array<i32>} : memref<3072xf32, #tpu.memory_space<vmem>>, vector<16xf32>,
            %add3A_301 = arith.constant 1024 : i32
            %add3A_302 = arith.addi %mul3A_289, %add3A_301 : i32
            %add3A_303 = arith.addi %add3A_302, %mul3A_263 : i32
            %swap3A_304 = arith.index_cast %add3A_303 : i32 to index
            %swap3A_305 = tpu.vector_load %arg10[%swap3A_304] {strides = array<i32>} : memref<3072xf32, #tpu.memory_space<vmem>>, vector<16xf32>,
            %swap3A_306 = vector.shape_cast %swap3A_305 : vector<16xf32> to vector<16xf32>
            %swap3A_307 = vector.shape_cast %sub3A_261 : vector<16xf32> to vector<16xf32>
            tpu.vector_store %arg10[%swap3A_304], %swap3A_307 {strides = array<i32>} : memref<3072xf32, #tpu.memory_space<vmem>>, vector<16xf32>,
            %mul3A_308 = arith.constant -1640531535 : i32
            %mul3A_309 = vector.broadcast %mul3A_308 : i32 to vector<16xi32>
            %mul3A_310 = arith.muli %select_n3A_251, %mul3A_309 : vector<16xi32>
            %mul3A_311 = arith.constant -1640531535 : i32
            %mul3A_312 = vector.broadcast %mul3A_311 : i32 to vector<16xi32>
            %mul3A_313 = arith.muli %convert_element_type3A_245, %mul3A_312 : vector<16xi32>
            %mul3A_314 = arith.constant 805459861 : i32
            %mul3A_315 = vector.broadcast %mul3A_314 : i32 to vector<16xi32>
            %mul3A_316 = arith.muli %select_n3A_260, %mul3A_315 : vector<16xi32>
            %mul3A_317 = arith.constant 805459861 : i32
            %mul3A_318 = vector.broadcast %mul3A_317 : i32 to vector<16xi32>
            %mul3A_319 = arith.muli %convert_element_type3A_254, %mul3A_318 : vector<16xi32>
            %xor3A = arith.xori %select_n3A_243, %mul3A_310 : vector<16xi32>
            %xor3A_320 = arith.xori %select_n3A_243, %mul3A_313 : vector<16xi32>
            %xor3A_321 = arith.xori %convert_element_type3A_237, %mul3A_310 : vector<16xi32>
            %xor3A_322 = arith.xori %convert_element_type3A_237, %mul3A_313 : vector<16xi32>
            %xor3A_323 = arith.xori %xor3A, %mul3A_316 : vector<16xi32>
            %xor3A_324 = arith.xori %xor3A_320, %mul3A_316 : vector<16xi32>
            %xor3A_325 = arith.xori %xor3A_322, %mul3A_316 : vector<16xi32>
            %xor3A_326 = arith.xori %xor3A_321, %mul3A_316 : vector<16xi32>
            %xor3A_327 = arith.xori %xor3A, %mul3A_319 : vector<16xi32>
            %xor3A_328 = arith.xori %xor3A_320, %mul3A_319 : vector<16xi32>
            %xor3A_329 = arith.xori %xor3A_322, %mul3A_319 : vector<16xi32>
            %xor3A_330 = arith.xori %xor3A_321, %mul3A_319 : vector<16xi32>
            %and3A_331 = arith.constant 524287 : i32
            %and3A_332 = vector.broadcast %and3A_331 : i32 to vector<16xi32>
            %and3A_333 = arith.andi %xor3A_323, %and3A_332 : vector<16xi32>
            %and3A_334 = arith.constant -128 : i32
            %and3A_335 = vector.broadcast %and3A_334 : i32 to vector<16xi32>
            %and3A_336 = arith.andi %and3A_333, %and3A_335 : vector<16xi32>
            %add3A_337 = arith.addi %and3A_333, %and3A_336 : vector<16xi32>
            %add3A_338 = arith.constant 0 : i32
            %add3A_339 = arith.addi %mul3A_136, %add3A_338 : i32
            %add3A_340 = arith.addi %add3A_339, %mul3A_263 : i32
            %swap3A_341 = arith.index_cast %add3A_340 : i32 to index
            %swap3A_342 = tpu.vector_load %arg7[%swap3A_341] {strides = array<i32>} : memref<16384xi32, #tpu.memory_space<vmem>>, vector<16xi32>,
            %swap3A_343 = vector.shape_cast %swap3A_342 : vector<16xi32> to vector<16xi32>
            %swap3A_344 = vector.shape_cast %add3A_337 : vector<16xi32> to vector<16xi32>
            tpu.vector_store %arg7[%swap3A_341], %swap3A_344 {strides = array<i32>} : memref<16384xi32, #tpu.memory_space<vmem>>, vector<16xi32>,
            %add3A_345 = arith.constant 128 : i32
            %add3A_346 = vector.broadcast %add3A_345 : i32 to vector<16xi32>
            %add3A_347 = arith.addi %add3A_337, %add3A_346 : vector<16xi32>
            %add3A_348 = arith.constant 512 : i32
            %add3A_349 = arith.addi %mul3A_136, %add3A_348 : i32
            %add3A_350 = arith.addi %add3A_349, %mul3A_263 : i32
            %swap3A_351 = arith.index_cast %add3A_350 : i32 to index
            %swap3A_352 = tpu.vector_load %arg7[%swap3A_351] {strides = array<i32>} : memref<16384xi32, #tpu.memory_space<vmem>>, vector<16xi32>,
            %swap3A_353 = vector.shape_cast %swap3A_352 : vector<16xi32> to vector<16xi32>
            %swap3A_354 = vector.shape_cast %add3A_347 : vector<16xi32> to vector<16xi32>
            tpu.vector_store %arg7[%swap3A_351], %swap3A_354 {strides = array<i32>} : memref<16384xi32, #tpu.memory_space<vmem>>, vector<16xi32>,
            %and3A_355 = arith.constant 524287 : i32
            %and3A_356 = vector.broadcast %and3A_355 : i32 to vector<16xi32>
            %and3A_357 = arith.andi %xor3A_324, %and3A_356 : vector<16xi32>
            %and3A_358 = arith.constant -128 : i32
            %and3A_359 = vector.broadcast %and3A_358 : i32 to vector<16xi32>
            %and3A_360 = arith.andi %and3A_357, %and3A_359 : vector<16xi32>
            %add3A_361 = arith.addi %and3A_357, %and3A_360 : vector<16xi32>
            %add3A_362 = arith.constant 1024 : i32
            %add3A_363 = arith.addi %mul3A_136, %add3A_362 : i32
            %add3A_364 = arith.addi %add3A_363, %mul3A_263 : i32
            %swap3A_365 = arith.index_cast %add3A_364 : i32 to index
            %swap3A_366 = tpu.vector_load %arg7[%swap3A_365] {strides = array<i32>} : memref<16384xi32, #tpu.memory_space<vmem>>, vector<16xi32>,
            %swap3A_367 = vector.shape_cast %swap3A_366 : vector<16xi32> to vector<16xi32>
            %swap3A_368 = vector.shape_cast %add3A_361 : vector<16xi32> to vector<16xi32>
            tpu.vector_store %arg7[%swap3A_365], %swap3A_368 {strides = array<i32>} : memref<16384xi32, #tpu.memory_space<vmem>>, vector<16xi32>,
            %add3A_369 = arith.constant 128 : i32
            %add3A_370 = vector.broadcast %add3A_369 : i32 to vector<16xi32>
            %add3A_371 = arith.addi %add3A_361, %add3A_370 : vector<16xi32>
            %add3A_372 = arith.constant 1536 : i32
            %add3A_373 = arith.addi %mul3A_136, %add3A_372 : i32
            %add3A_374 = arith.addi %add3A_373, %mul3A_263 : i32
            %swap3A_375 = arith.index_cast %add3A_374 : i32 to index
            %swap3A_376 = tpu.vector_load %arg7[%swap3A_375] {strides = array<i32>} : memref<16384xi32, #tpu.memory_space<vmem>>, vector<16xi32>,
            %swap3A_377 = vector.shape_cast %swap3A_376 : vector<16xi32> to vector<16xi32>
            %swap3A_378 = vector.shape_cast %add3A_371 : vector<16xi32> to vector<16xi32>
            tpu.vector_store %arg7[%swap3A_375], %swap3A_378 {strides = array<i32>} : memref<16384xi32, #tpu.memory_space<vmem>>, vector<16xi32>,
            %and3A_379 = arith.constant 524287 : i32
            %and3A_380 = vector.broadcast %and3A_379 : i32 to vector<16xi32>
            %and3A_381 = arith.andi %xor3A_325, %and3A_380 : vector<16xi32>
            %and3A_382 = arith.constant -128 : i32
            %and3A_383 = vector.broadcast %and3A_382 : i32 to vector<16xi32>
            %and3A_384 = arith.andi %and3A_381, %and3A_383 : vector<16xi32>
            %add3A_385 = arith.addi %and3A_381, %and3A_384 : vector<16xi32>
            %add3A_386 = arith.constant 2048 : i32
            %add3A_387 = arith.addi %mul3A_136, %add3A_386 : i32
            %add3A_388 = arith.addi %add3A_387, %mul3A_263 : i32
            %swap3A_389 = arith.index_cast %add3A_388 : i32 to index
            %swap3A_390 = tpu.vector_load %arg7[%swap3A_389] {strides = array<i32>} : memref<16384xi32, #tpu.memory_space<vmem>>, vector<16xi32>,
            %swap3A_391 = vector.shape_cast %swap3A_390 : vector<16xi32> to vector<16xi32>
            %swap3A_392 = vector.shape_cast %add3A_385 : vector<16xi32> to vector<16xi32>
            tpu.vector_store %arg7[%swap3A_389], %swap3A_392 {strides = array<i32>} : memref<16384xi32, #tpu.memory_space<vmem>>, vector<16xi32>,
            %add3A_393 = arith.constant 128 : i32
            %add3A_394 = vector.broadcast %add3A_393 : i32 to vector<16xi32>
            %add3A_395 = arith.addi %add3A_385, %add3A_394 : vector<16xi32>
            %add3A_396 = arith.constant 2560 : i32
            %add3A_397 = arith.addi %mul3A_136, %add3A_396 : i32
            %add3A_398 = arith.addi %add3A_397, %mul3A_263 : i32
            %swap3A_399 = arith.index_cast %add3A_398 : i32 to index
            %swap3A_400 = tpu.vector_load %arg7[%swap3A_399] {strides = array<i32>} : memref<16384xi32, #tpu.memory_space<vmem>>, vector<16xi32>,
            %swap3A_401 = vector.shape_cast %swap3A_400 : vector<16xi32> to vector<16xi32>
            %swap3A_402 = vector.shape_cast %add3A_395 : vector<16xi32> to vector<16xi32>
            tpu.vector_store %arg7[%swap3A_399], %swap3A_402 {strides = array<i32>} : memref<16384xi32, #tpu.memory_space<vmem>>, vector<16xi32>,
            %and3A_403 = arith.constant 524287 : i32
            %and3A_404 = vector.broadcast %and3A_403 : i32 to vector<16xi32>
            %and3A_405 = arith.andi %xor3A_326, %and3A_404 : vector<16xi32>
            %and3A_406 = arith.constant -128 : i32
            %and3A_407 = vector.broadcast %and3A_406 : i32 to vector<16xi32>
            %and3A_408 = arith.andi %and3A_405, %and3A_407 : vector<16xi32>
            %add3A_409 = arith.addi %and3A_405, %and3A_408 : vector<16xi32>
            %add3A_410 = arith.constant 3072 : i32
            %add3A_411 = arith.addi %mul3A_136, %add3A_410 : i32
            %add3A_412 = arith.addi %add3A_411, %mul3A_263 : i32
            %swap3A_413 = arith.index_cast %add3A_412 : i32 to index
            %swap3A_414 = tpu.vector_load %arg7[%swap3A_413] {strides = array<i32>} : memref<16384xi32, #tpu.memory_space<vmem>>, vector<16xi32>,
            %swap3A_415 = vector.shape_cast %swap3A_414 : vector<16xi32> to vector<16xi32>
            %swap3A_416 = vector.shape_cast %add3A_409 : vector<16xi32> to vector<16xi32>
            tpu.vector_store %arg7[%swap3A_413], %swap3A_416 {strides = array<i32>} : memref<16384xi32, #tpu.memory_space<vmem>>, vector<16xi32>,
            %add3A_417 = arith.constant 128 : i32
            %add3A_418 = vector.broadcast %add3A_417 : i32 to vector<16xi32>
            %add3A_419 = arith.addi %add3A_409, %add3A_418 : vector<16xi32>
            %add3A_420 = arith.constant 3584 : i32
            %add3A_421 = arith.addi %mul3A_136, %add3A_420 : i32
            %add3A_422 = arith.addi %add3A_421, %mul3A_263 : i32
            %swap3A_423 = arith.index_cast %add3A_422 : i32 to index
            %swap3A_424 = tpu.vector_load %arg7[%swap3A_423] {strides = array<i32>} : memref<16384xi32, #tpu.memory_space<vmem>>, vector<16xi32>,
            %swap3A_425 = vector.shape_cast %swap3A_424 : vector<16xi32> to vector<16xi32>
            %swap3A_426 = vector.shape_cast %add3A_419 : vector<16xi32> to vector<16xi32>
            tpu.vector_store %arg7[%swap3A_423], %swap3A_426 {strides = array<i32>} : memref<16384xi32, #tpu.memory_space<vmem>>, vector<16xi32>,
            %and3A_427 = arith.constant 524287 : i32
            %and3A_428 = vector.broadcast %and3A_427 : i32 to vector<16xi32>
            %and3A_429 = arith.andi %xor3A_327, %and3A_428 : vector<16xi32>
            %and3A_430 = arith.constant -128 : i32
            %and3A_431 = vector.broadcast %and3A_430 : i32 to vector<16xi32>
            %and3A_432 = arith.andi %and3A_429, %and3A_431 : vector<16xi32>
            %add3A_433 = arith.addi %and3A_429, %and3A_432 : vector<16xi32>
            %add3A_434 = arith.constant 4096 : i32
            %add3A_435 = arith.addi %mul3A_136, %add3A_434 : i32
            %add3A_436 = arith.addi %add3A_435, %mul3A_263 : i32
            %swap3A_437 = arith.index_cast %add3A_436 : i32 to index
            %swap3A_438 = tpu.vector_load %arg7[%swap3A_437] {strides = array<i32>} : memref<16384xi32, #tpu.memory_space<vmem>>, vector<16xi32>,
            %swap3A_439 = vector.shape_cast %swap3A_438 : vector<16xi32> to vector<16xi32>
            %swap3A_440 = vector.shape_cast %add3A_433 : vector<16xi32> to vector<16xi32>
            tpu.vector_store %arg7[%swap3A_437], %swap3A_440 {strides = array<i32>} : memref<16384xi32, #tpu.memory_space<vmem>>, vector<16xi32>,
            %add3A_441 = arith.constant 128 : i32
            %add3A_442 = vector.broadcast %add3A_441 : i32 to vector<16xi32>
            %add3A_443 = arith.addi %add3A_433, %add3A_442 : vector<16xi32>
            %add3A_444 = arith.constant 4608 : i32
            %add3A_445 = arith.addi %mul3A_136, %add3A_444 : i32
            %add3A_446 = arith.addi %add3A_445, %mul3A_263 : i32
            %swap3A_447 = arith.index_cast %add3A_446 : i32 to index
            %swap3A_448 = tpu.vector_load %arg7[%swap3A_447] {strides = array<i32>} : memref<16384xi32, #tpu.memory_space<vmem>>, vector<16xi32>,
            %swap3A_449 = vector.shape_cast %swap3A_448 : vector<16xi32> to vector<16xi32>
            %swap3A_450 = vector.shape_cast %add3A_443 : vector<16xi32> to vector<16xi32>
            tpu.vector_store %arg7[%swap3A_447], %swap3A_450 {strides = array<i32>} : memref<16384xi32, #tpu.memory_space<vmem>>, vector<16xi32>,
            %and3A_451 = arith.constant 524287 : i32
            %and3A_452 = vector.broadcast %and3A_451 : i32 to vector<16xi32>
            %and3A_453 = arith.andi %xor3A_328, %and3A_452 : vector<16xi32>
            %and3A_454 = arith.constant -128 : i32
            %and3A_455 = vector.broadcast %and3A_454 : i32 to vector<16xi32>
            %and3A_456 = arith.andi %and3A_453, %and3A_455 : vector<16xi32>
            %add3A_457 = arith.addi %and3A_453, %and3A_456 : vector<16xi32>
            %add3A_458 = arith.constant 5120 : i32
            %add3A_459 = arith.addi %mul3A_136, %add3A_458 : i32
            %add3A_460 = arith.addi %add3A_459, %mul3A_263 : i32
            %swap3A_461 = arith.index_cast %add3A_460 : i32 to index
            %swap3A_462 = tpu.vector_load %arg7[%swap3A_461] {strides = array<i32>} : memref<16384xi32, #tpu.memory_space<vmem>>, vector<16xi32>,
            %swap3A_463 = vector.shape_cast %swap3A_462 : vector<16xi32> to vector<16xi32>
            %swap3A_464 = vector.shape_cast %add3A_457 : vector<16xi32> to vector<16xi32>
            tpu.vector_store %arg7[%swap3A_461], %swap3A_464 {strides = array<i32>} : memref<16384xi32, #tpu.memory_space<vmem>>, vector<16xi32>,
            %add3A_465 = arith.constant 128 : i32
            %add3A_466 = vector.broadcast %add3A_465 : i32 to vector<16xi32>
            %add3A_467 = arith.addi %add3A_457, %add3A_466 : vector<16xi32>
            %add3A_468 = arith.constant 5632 : i32
            %add3A_469 = arith.addi %mul3A_136, %add3A_468 : i32
            %add3A_470 = arith.addi %add3A_469, %mul3A_263 : i32
            %swap3A_471 = arith.index_cast %add3A_470 : i32 to index
            %swap3A_472 = tpu.vector_load %arg7[%swap3A_471] {strides = array<i32>} : memref<16384xi32, #tpu.memory_space<vmem>>, vector<16xi32>,
            %swap3A_473 = vector.shape_cast %swap3A_472 : vector<16xi32> to vector<16xi32>
            %swap3A_474 = vector.shape_cast %add3A_467 : vector<16xi32> to vector<16xi32>
            tpu.vector_store %arg7[%swap3A_471], %swap3A_474 {strides = array<i32>} : memref<16384xi32, #tpu.memory_space<vmem>>, vector<16xi32>,
            %and3A_475 = arith.constant 524287 : i32
            %and3A_476 = vector.broadcast %and3A_475 : i32 to vector<16xi32>
            %and3A_477 = arith.andi %xor3A_329, %and3A_476 : vector<16xi32>
            %and3A_478 = arith.constant -128 : i32
            %and3A_479 = vector.broadcast %and3A_478 : i32 to vector<16xi32>
            %and3A_480 = arith.andi %and3A_477, %and3A_479 : vector<16xi32>
            %add3A_481 = arith.addi %and3A_477, %and3A_480 : vector<16xi32>
            %add3A_482 = arith.constant 6144 : i32
            %add3A_483 = arith.addi %mul3A_136, %add3A_482 : i32
            %add3A_484 = arith.addi %add3A_483, %mul3A_263 : i32
            %swap3A_485 = arith.index_cast %add3A_484 : i32 to index
            %swap3A_486 = tpu.vector_load %arg7[%swap3A_485] {strides = array<i32>} : memref<16384xi32, #tpu.memory_space<vmem>>, vector<16xi32>,
            %swap3A_487 = vector.shape_cast %swap3A_486 : vector<16xi32> to vector<16xi32>
            %swap3A_488 = vector.shape_cast %add3A_481 : vector<16xi32> to vector<16xi32>
            tpu.vector_store %arg7[%swap3A_485], %swap3A_488 {strides = array<i32>} : memref<16384xi32, #tpu.memory_space<vmem>>, vector<16xi32>,
            %add3A_489 = arith.constant 128 : i32
            %add3A_490 = vector.broadcast %add3A_489 : i32 to vector<16xi32>
            %add3A_491 = arith.addi %add3A_481, %add3A_490 : vector<16xi32>
            %add3A_492 = arith.constant 6656 : i32
            %add3A_493 = arith.addi %mul3A_136, %add3A_492 : i32
            %add3A_494 = arith.addi %add3A_493, %mul3A_263 : i32
            %swap3A_495 = arith.index_cast %add3A_494 : i32 to index
            %swap3A_496 = tpu.vector_load %arg7[%swap3A_495] {strides = array<i32>} : memref<16384xi32, #tpu.memory_space<vmem>>, vector<16xi32>,
            %swap3A_497 = vector.shape_cast %swap3A_496 : vector<16xi32> to vector<16xi32>
            %swap3A_498 = vector.shape_cast %add3A_491 : vector<16xi32> to vector<16xi32>
            tpu.vector_store %arg7[%swap3A_495], %swap3A_498 {strides = array<i32>} : memref<16384xi32, #tpu.memory_space<vmem>>, vector<16xi32>,
            %and3A_499 = arith.constant 524287 : i32
            %and3A_500 = vector.broadcast %and3A_499 : i32 to vector<16xi32>
            %and3A_501 = arith.andi %xor3A_330, %and3A_500 : vector<16xi32>
            %and3A_502 = arith.constant -128 : i32
            %and3A_503 = vector.broadcast %and3A_502 : i32 to vector<16xi32>
            %and3A_504 = arith.andi %and3A_501, %and3A_503 : vector<16xi32>
            %add3A_505 = arith.addi %and3A_501, %and3A_504 : vector<16xi32>
            %add3A_506 = arith.constant 7168 : i32
            %add3A_507 = arith.addi %mul3A_136, %add3A_506 : i32
            %add3A_508 = arith.addi %add3A_507, %mul3A_263 : i32
            %swap3A_509 = arith.index_cast %add3A_508 : i32 to index
            %swap3A_510 = tpu.vector_load %arg7[%swap3A_509] {strides = array<i32>} : memref<16384xi32, #tpu.memory_space<vmem>>, vector<16xi32>,
            %swap3A_511 = vector.shape_cast %swap3A_510 : vector<16xi32> to vector<16xi32>
            %swap3A_512 = vector.shape_cast %add3A_505 : vector<16xi32> to vector<16xi32>
            tpu.vector_store %arg7[%swap3A_509], %swap3A_512 {strides = array<i32>} : memref<16384xi32, #tpu.memory_space<vmem>>, vector<16xi32>,
            %add3A_513 = arith.constant 128 : i32
            %add3A_514 = vector.broadcast %add3A_513 : i32 to vector<16xi32>
            %add3A_515 = arith.addi %add3A_505, %add3A_514 : vector<16xi32>
            %add3A_516 = arith.constant 7680 : i32
            %add3A_517 = arith.addi %mul3A_136, %add3A_516 : i32
            %add3A_518 = arith.addi %add3A_517, %mul3A_263 : i32
            %swap3A_519 = arith.index_cast %add3A_518 : i32 to index
            %swap3A_520 = tpu.vector_load %arg7[%swap3A_519] {strides = array<i32>} : memref<16384xi32, #tpu.memory_space<vmem>>, vector<16xi32>,
            %swap3A_521 = vector.shape_cast %swap3A_520 : vector<16xi32> to vector<16xi32>
            %swap3A_522 = vector.shape_cast %add3A_515 : vector<16xi32> to vector<16xi32>
            tpu.vector_store %arg7[%swap3A_519], %swap3A_522 {strides = array<i32>} : memref<16384xi32, #tpu.memory_space<vmem>>, vector<16xi32>,
            %mul3A_523 = arith.constant 2 : i32
            %mul3A_524 = arith.muli %scan3A_212, %mul3A_523 : i32
            %add3A_525 = arith.constant 1 : i32
            %add3A_526 = arith.addi %mul3A_524, %add3A_525 : i32
            %mul3A_527 = arith.constant 16 : i32
            %mul3A_528 = arith.muli %add3A_526, %mul3A_527 : i32
            %shift_right_arithmetic3A_529 = arith.constant 7 : i32
            %shift_right_arithmetic3A_530 = arith.shrsi %mul3A_528, %shift_right_arithmetic3A_529 : i32
            %mul3A_531 = arith.constant 384 : i32
            %mul3A_532 = arith.muli %shift_right_arithmetic3A_530, %mul3A_531 : i32
            %add3A_533 = arith.addi %mul3A_195, %mul3A_532 : i32
            %and3A_534 = arith.constant 127 : i32
            %and3A_535 = arith.andi %mul3A_528, %and3A_534 : i32
            %add3A_536 = arith.addi %add3A_533, %and3A_535 : i32
            %get3A_537 = arith.index_cast %add3A_536 : i32 to index
            %get3A_538 = tpu.vector_load %arg6[%get3A_537] {strides = array<i32>} : memref<4608xf32, #tpu.memory_space<vmem>>, vector<16xf32>,
            %get3A_539 = vector.shape_cast %get3A_538 : vector<16xf32> to vector<16xf32>
            %add3A_540 = arith.constant 128 : i32
            %add3A_541 = arith.addi %add3A_536, %add3A_540 : i32
            %get3A_542 = arith.index_cast %add3A_541 : i32 to index
            %get3A_543 = tpu.vector_load %arg6[%get3A_542] {strides = array<i32>} : memref<4608xf32, #tpu.memory_space<vmem>>, vector<16xf32>,
            %get3A_544 = vector.shape_cast %get3A_543 : vector<16xf32> to vector<16xf32>
            %add3A_545 = arith.constant 256 : i32
            %add3A_546 = arith.addi %add3A_536, %add3A_545 : i32
            %get3A_547 = arith.index_cast %add3A_546 : i32 to index
            %get3A_548 = tpu.vector_load %arg6[%get3A_547] {strides = array<i32>} : memref<4608xf32, #tpu.memory_space<vmem>>, vector<16xf32>,
            %get3A_549 = vector.shape_cast %get3A_548 : vector<16xf32> to vector<16xf32>
            %mul3A_550 = arith.mulf %get3A_539, %select_n3A_126 : vector<16xf32>
            %convert_element_type3A_551 = arith.fptosi %mul3A_550 : vector<16xf32> to vector<16xi32>
            %convert_element_type3A_552 = arith.sitofp %convert_element_type3A_551 : vector<16xi32> to vector<16xf32>
            %eq3A_553 = arith.cmpf oeq, %mul3A_550, %convert_element_type3A_552 : vector<16xf32>
            %add3A_554 = arith.constant 1 : i32
            %add3A_555 = vector.broadcast %add3A_554 : i32 to vector<16xi32>
            %add3A_556 = arith.addi %convert_element_type3A_551, %add3A_555 : vector<16xi32>
            %select_n3A_557 = arith.select %eq3A_553, %convert_element_type3A_551, %add3A_556 : vector<16xi1>, vector<16xi32>
            %sub3A_558 = arith.subf %mul3A_550, %convert_element_type3A_552 : vector<16xf32>
            %mul3A_559 = arith.mulf %get3A_544, %select_n3A_126 : vector<16xf32>
            %convert_element_type3A_560 = arith.fptosi %mul3A_559 : vector<16xf32> to vector<16xi32>
            %convert_element_type3A_561 = arith.sitofp %convert_element_type3A_560 : vector<16xi32> to vector<16xf32>
            %eq3A_562 = arith.cmpf oeq, %mul3A_559, %convert_element_type3A_561 : vector<16xf32>
            %add3A_563 = arith.constant 1 : i32
            %add3A_564 = vector.broadcast %add3A_563 : i32 to vector<16xi32>
            %add3A_565 = arith.addi %convert_element_type3A_560, %add3A_564 : vector<16xi32>
            %select_n3A_566 = arith.select %eq3A_562, %convert_element_type3A_560, %add3A_565 : vector<16xi1>, vector<16xi32>
            %sub3A_567 = arith.subf %mul3A_559, %convert_element_type3A_561 : vector<16xf32>
            %mul3A_568 = arith.mulf %get3A_549, %select_n3A_126 : vector<16xf32>
            %convert_element_type3A_569 = arith.fptosi %mul3A_568 : vector<16xf32> to vector<16xi32>
            %convert_element_type3A_570 = arith.sitofp %convert_element_type3A_569 : vector<16xi32> to vector<16xf32>
            %eq3A_571 = arith.cmpf oeq, %mul3A_568, %convert_element_type3A_570 : vector<16xf32>
            %add3A_572 = arith.constant 1 : i32
            %add3A_573 = vector.broadcast %add3A_572 : i32 to vector<16xi32>
            %add3A_574 = arith.addi %convert_element_type3A_569, %add3A_573 : vector<16xi32>
            %select_n3A_575 = arith.select %eq3A_571, %convert_element_type3A_569, %add3A_574 : vector<16xi1>, vector<16xi32>
            %sub3A_576 = arith.subf %mul3A_568, %convert_element_type3A_570 : vector<16xf32>
            %mul3A_577 = arith.constant 16 : i32
            %mul3A_578 = arith.muli %add3A_526, %mul3A_577 : i32
            %jit3A_579 = arith.constant 8192 : i32
            %div3A_580 = arith.divsi %mul3A_136, %jit3A_579 : i32
            %sign3A_581 = arith.constant 0 : i32
            %sign3A_582 = arith.cmpi sgt, %mul3A_136, %sign3A_581 : i32
            %sign3A_583 = arith.extui %sign3A_582 : i1 to i32
            %sign3A_584 = arith.constant 0 : i32
            %sign3A_585 = arith.cmpi slt, %mul3A_136, %sign3A_584 : i32
            %sign3A_586 = arith.extui %sign3A_585 : i1 to i32
            %sign3A_587 = arith.subi %sign3A_583, %sign3A_586 : i32
            %sign3A_588 = arith.constant 0 : i32
            %sign3A_589 = arith.cmpi sgt, %jit3A_579, %sign3A_588 : i32
            %sign3A_590 = arith.extui %sign3A_589 : i1 to i32
            %sign3A_591 = arith.constant 0 : i32
            %sign3A_592 = arith.cmpi slt, %jit3A_579, %sign3A_591 : i32
            %sign3A_593 = arith.extui %sign3A_592 : i1 to i32
            %sign3A_594 = arith.subi %sign3A_590, %sign3A_593 : i32
            %ne3A_595 = arith.cmpi ne, %sign3A_587, %sign3A_594 : i32
            %rem3A_596 = arith.remsi %mul3A_136, %jit3A_579 : i32
            %ne3A_597 = arith.constant 0 : i32
            %ne3A_598 = arith.cmpi ne, %rem3A_596, %ne3A_597 : i32
            %and3A_599 = arith.andi %ne3A_595, %ne3A_598 : i1
            %sub3A_600 = arith.constant 1 : i32
            %sub3A_601 = arith.subi %div3A_580, %sub3A_600 : i32
            %select_n3A_602 = arith.select %and3A_599, %sub3A_601, %div3A_580 : i32
            %mul3A_603 = arith.constant 3 : i32
            %mul3A_604 = arith.muli %select_n3A_602, %mul3A_603 : i32
            %mul3A_605 = arith.constant 512 : i32
            %mul3A_606 = arith.muli %mul3A_604, %mul3A_605 : i32
            %add3A_607 = arith.addi %mul3A_606, %mul3A_578 : i32
            %swap3A_608 = arith.index_cast %add3A_607 : i32 to index
            %swap3A_609 = tpu.vector_load %arg10[%swap3A_608] {strides = array<i32>} : memref<3072xf32, #tpu.memory_space<vmem>>, vector<16xf32>,
            %swap3A_610 = vector.shape_cast %swap3A_609 : vector<16xf32> to vector<16xf32>
            %swap3A_611 = vector.shape_cast %sub3A_558 : vector<16xf32> to vector<16xf32>
            tpu.vector_store %arg10[%swap3A_608], %swap3A_611 {strides = array<i32>} : memref<3072xf32, #tpu.memory_space<vmem>>, vector<16xf32>,
            %add3A_612 = arith.constant 512 : i32
            %add3A_613 = arith.addi %mul3A_606, %add3A_612 : i32
            %add3A_614 = arith.addi %add3A_613, %mul3A_578 : i32
            %swap3A_615 = arith.index_cast %add3A_614 : i32 to index
            %swap3A_616 = tpu.vector_load %arg10[%swap3A_615] {strides = array<i32>} : memref<3072xf32, #tpu.memory_space<vmem>>, vector<16xf32>,
            %swap3A_617 = vector.shape_cast %swap3A_616 : vector<16xf32> to vector<16xf32>
            %swap3A_618 = vector.shape_cast %sub3A_567 : vector<16xf32> to vector<16xf32>
            tpu.vector_store %arg10[%swap3A_615], %swap3A_618 {strides = array<i32>} : memref<3072xf32, #tpu.memory_space<vmem>>, vector<16xf32>,
            %add3A_619 = arith.constant 1024 : i32
            %add3A_620 = arith.addi %mul3A_606, %add3A_619 : i32
            %add3A_621 = arith.addi %add3A_620, %mul3A_578 : i32
            %swap3A_622 = arith.index_cast %add3A_621 : i32 to index
            %swap3A_623 = tpu.vector_load %arg10[%swap3A_622] {strides = array<i32>} : memref<3072xf32, #tpu.memory_space<vmem>>, vector<16xf32>,
            %swap3A_624 = vector.shape_cast %swap3A_623 : vector<16xf32> to vector<16xf32>
            %swap3A_625 = vector.shape_cast %sub3A_576 : vector<16xf32> to vector<16xf32>
            tpu.vector_store %arg10[%swap3A_622], %swap3A_625 {strides = array<i32>} : memref<3072xf32, #tpu.memory_space<vmem>>, vector<16xf32>,
            %mul3A_626 = arith.constant -1640531535 : i32
            %mul3A_627 = vector.broadcast %mul3A_626 : i32 to vector<16xi32>
            %mul3A_628 = arith.muli %select_n3A_566, %mul3A_627 : vector<16xi32>
            %mul3A_629 = arith.constant -1640531535 : i32
            %mul3A_630 = vector.broadcast %mul3A_629 : i32 to vector<16xi32>
            %mul3A_631 = arith.muli %convert_element_type3A_560, %mul3A_630 : vector<16xi32>
            %mul3A_632 = arith.constant 805459861 : i32
            %mul3A_633 = vector.broadcast %mul3A_632 : i32 to vector<16xi32>
            %mul3A_634 = arith.muli %select_n3A_575, %mul3A_633 : vector<16xi32>
            %mul3A_635 = arith.constant 805459861 : i32
            %mul3A_636 = vector.broadcast %mul3A_635 : i32 to vector<16xi32>
            %mul3A_637 = arith.muli %convert_element_type3A_569, %mul3A_636 : vector<16xi32>
            %xor3A_638 = arith.xori %select_n3A_557, %mul3A_628 : vector<16xi32>
            %xor3A_639 = arith.xori %select_n3A_557, %mul3A_631 : vector<16xi32>
            %xor3A_640 = arith.xori %convert_element_type3A_551, %mul3A_628 : vector<16xi32>
            %xor3A_641 = arith.xori %convert_element_type3A_551, %mul3A_631 : vector<16xi32>
            %xor3A_642 = arith.xori %xor3A_638, %mul3A_634 : vector<16xi32>
            %xor3A_643 = arith.xori %xor3A_639, %mul3A_634 : vector<16xi32>
            %xor3A_644 = arith.xori %xor3A_641, %mul3A_634 : vector<16xi32>
            %xor3A_645 = arith.xori %xor3A_640, %mul3A_634 : vector<16xi32>
            %xor3A_646 = arith.xori %xor3A_638, %mul3A_637 : vector<16xi32>
            %xor3A_647 = arith.xori %xor3A_639, %mul3A_637 : vector<16xi32>
            %xor3A_648 = arith.xori %xor3A_641, %mul3A_637 : vector<16xi32>
            %xor3A_649 = arith.xori %xor3A_640, %mul3A_637 : vector<16xi32>
            %and3A_650 = arith.constant 524287 : i32
            %and3A_651 = vector.broadcast %and3A_650 : i32 to vector<16xi32>
            %and3A_652 = arith.andi %xor3A_642, %and3A_651 : vector<16xi32>
            %and3A_653 = arith.constant -128 : i32
            %and3A_654 = vector.broadcast %and3A_653 : i32 to vector<16xi32>
            %and3A_655 = arith.andi %and3A_652, %and3A_654 : vector<16xi32>
            %add3A_656 = arith.addi %and3A_652, %and3A_655 : vector<16xi32>
            %add3A_657 = arith.constant 0 : i32
            %add3A_658 = arith.addi %mul3A_136, %add3A_657 : i32
            %add3A_659 = arith.addi %add3A_658, %mul3A_578 : i32
            %swap3A_660 = arith.index_cast %add3A_659 : i32 to index
            %swap3A_661 = tpu.vector_load %arg7[%swap3A_660] {strides = array<i32>} : memref<16384xi32, #tpu.memory_space<vmem>>, vector<16xi32>,
            %swap3A_662 = vector.shape_cast %swap3A_661 : vector<16xi32> to vector<16xi32>
            %swap3A_663 = vector.shape_cast %add3A_656 : vector<16xi32> to vector<16xi32>
            tpu.vector_store %arg7[%swap3A_660], %swap3A_663 {strides = array<i32>} : memref<16384xi32, #tpu.memory_space<vmem>>, vector<16xi32>,
            %add3A_664 = arith.constant 128 : i32
            %add3A_665 = vector.broadcast %add3A_664 : i32 to vector<16xi32>
            %add3A_666 = arith.addi %add3A_656, %add3A_665 : vector<16xi32>
            %add3A_667 = arith.constant 512 : i32
            %add3A_668 = arith.addi %mul3A_136, %add3A_667 : i32
            %add3A_669 = arith.addi %add3A_668, %mul3A_578 : i32
            %swap3A_670 = arith.index_cast %add3A_669 : i32 to index
            %swap3A_671 = tpu.vector_load %arg7[%swap3A_670] {strides = array<i32>} : memref<16384xi32, #tpu.memory_space<vmem>>, vector<16xi32>,
            %swap3A_672 = vector.shape_cast %swap3A_671 : vector<16xi32> to vector<16xi32>
            %swap3A_673 = vector.shape_cast %add3A_666 : vector<16xi32> to vector<16xi32>
            tpu.vector_store %arg7[%swap3A_670], %swap3A_673 {strides = array<i32>} : memref<16384xi32, #tpu.memory_space<vmem>>, vector<16xi32>,
            %and3A_674 = arith.constant 524287 : i32
            %and3A_675 = vector.broadcast %and3A_674 : i32 to vector<16xi32>
            %and3A_676 = arith.andi %xor3A_643, %and3A_675 : vector<16xi32>
            %and3A_677 = arith.constant -128 : i32
            %and3A_678 = vector.broadcast %and3A_677 : i32 to vector<16xi32>
            %and3A_679 = arith.andi %and3A_676, %and3A_678 : vector<16xi32>
            %add3A_680 = arith.addi %and3A_676, %and3A_679 : vector<16xi32>
            %add3A_681 = arith.constant 1024 : i32
            %add3A_682 = arith.addi %mul3A_136, %add3A_681 : i32
            %add3A_683 = arith.addi %add3A_682, %mul3A_578 : i32
            %swap3A_684 = arith.index_cast %add3A_683 : i32 to index
            %swap3A_685 = tpu.vector_load %arg7[%swap3A_684] {strides = array<i32>} : memref<16384xi32, #tpu.memory_space<vmem>>, vector<16xi32>,
            %swap3A_686 = vector.shape_cast %swap3A_685 : vector<16xi32> to vector<16xi32>
            %swap3A_687 = vector.shape_cast %add3A_680 : vector<16xi32> to vector<16xi32>
            tpu.vector_store %arg7[%swap3A_684], %swap3A_687 {strides = array<i32>} : memref<16384xi32, #tpu.memory_space<vmem>>, vector<16xi32>,
            %add3A_688 = arith.constant 128 : i32
            %add3A_689 = vector.broadcast %add3A_688 : i32 to vector<16xi32>
            %add3A_690 = arith.addi %add3A_680, %add3A_689 : vector<16xi32>
            %add3A_691 = arith.constant 1536 : i32
            %add3A_692 = arith.addi %mul3A_136, %add3A_691 : i32
            %add3A_693 = arith.addi %add3A_692, %mul3A_578 : i32
            %swap3A_694 = arith.index_cast %add3A_693 : i32 to index
            %swap3A_695 = tpu.vector_load %arg7[%swap3A_694] {strides = array<i32>} : memref<16384xi32, #tpu.memory_space<vmem>>, vector<16xi32>,
            %swap3A_696 = vector.shape_cast %swap3A_695 : vector<16xi32> to vector<16xi32>
            %swap3A_697 = vector.shape_cast %add3A_690 : vector<16xi32> to vector<16xi32>
            tpu.vector_store %arg7[%swap3A_694], %swap3A_697 {strides = array<i32>} : memref<16384xi32, #tpu.memory_space<vmem>>, vector<16xi32>,
            %and3A_698 = arith.constant 524287 : i32
            %and3A_699 = vector.broadcast %and3A_698 : i32 to vector<16xi32>
            %and3A_700 = arith.andi %xor3A_644, %and3A_699 : vector<16xi32>
            %and3A_701 = arith.constant -128 : i32
            %and3A_702 = vector.broadcast %and3A_701 : i32 to vector<16xi32>
            %and3A_703 = arith.andi %and3A_700, %and3A_702 : vector<16xi32>
            %add3A_704 = arith.addi %and3A_700, %and3A_703 : vector<16xi32>
            %add3A_705 = arith.constant 2048 : i32
            %add3A_706 = arith.addi %mul3A_136, %add3A_705 : i32
            %add3A_707 = arith.addi %add3A_706, %mul3A_578 : i32
            %swap3A_708 = arith.index_cast %add3A_707 : i32 to index
            %swap3A_709 = tpu.vector_load %arg7[%swap3A_708] {strides = array<i32>} : memref<16384xi32, #tpu.memory_space<vmem>>, vector<16xi32>,
            %swap3A_710 = vector.shape_cast %swap3A_709 : vector<16xi32> to vector<16xi32>
            %swap3A_711 = vector.shape_cast %add3A_704 : vector<16xi32> to vector<16xi32>
            tpu.vector_store %arg7[%swap3A_708], %swap3A_711 {strides = array<i32>} : memref<16384xi32, #tpu.memory_space<vmem>>, vector<16xi32>,
            %add3A_712 = arith.constant 128 : i32
            %add3A_713 = vector.broadcast %add3A_712 : i32 to vector<16xi32>
            %add3A_714 = arith.addi %add3A_704, %add3A_713 : vector<16xi32>
            %add3A_715 = arith.constant 2560 : i32
            %add3A_716 = arith.addi %mul3A_136, %add3A_715 : i32
            %add3A_717 = arith.addi %add3A_716, %mul3A_578 : i32
            %swap3A_718 = arith.index_cast %add3A_717 : i32 to index
            %swap3A_719 = tpu.vector_load %arg7[%swap3A_718] {strides = array<i32>} : memref<16384xi32, #tpu.memory_space<vmem>>, vector<16xi32>,
            %swap3A_720 = vector.shape_cast %swap3A_719 : vector<16xi32> to vector<16xi32>
            %swap3A_721 = vector.shape_cast %add3A_714 : vector<16xi32> to vector<16xi32>
            tpu.vector_store %arg7[%swap3A_718], %swap3A_721 {strides = array<i32>} : memref<16384xi32, #tpu.memory_space<vmem>>, vector<16xi32>,
            %and3A_722 = arith.constant 524287 : i32
            %and3A_723 = vector.broadcast %and3A_722 : i32 to vector<16xi32>
            %and3A_724 = arith.andi %xor3A_645, %and3A_723 : vector<16xi32>
            %and3A_725 = arith.constant -128 : i32
            %and3A_726 = vector.broadcast %and3A_725 : i32 to vector<16xi32>
            %and3A_727 = arith.andi %and3A_724, %and3A_726 : vector<16xi32>
            %add3A_728 = arith.addi %and3A_724, %and3A_727 : vector<16xi32>
            %add3A_729 = arith.constant 3072 : i32
            %add3A_730 = arith.addi %mul3A_136, %add3A_729 : i32
            %add3A_731 = arith.addi %add3A_730, %mul3A_578 : i32
            %swap3A_732 = arith.index_cast %add3A_731 : i32 to index
            %swap3A_733 = tpu.vector_load %arg7[%swap3A_732] {strides = array<i32>} : memref<16384xi32, #tpu.memory_space<vmem>>, vector<16xi32>,
            %swap3A_734 = vector.shape_cast %swap3A_733 : vector<16xi32> to vector<16xi32>
            %swap3A_735 = vector.shape_cast %add3A_728 : vector<16xi32> to vector<16xi32>
            tpu.vector_store %arg7[%swap3A_732], %swap3A_735 {strides = array<i32>} : memref<16384xi32, #tpu.memory_space<vmem>>, vector<16xi32>,
            %add3A_736 = arith.constant 128 : i32
            %add3A_737 = vector.broadcast %add3A_736 : i32 to vector<16xi32>
            %add3A_738 = arith.addi %add3A_728, %add3A_737 : vector<16xi32>
            %add3A_739 = arith.constant 3584 : i32
            %add3A_740 = arith.addi %mul3A_136, %add3A_739 : i32
            %add3A_741 = arith.addi %add3A_740, %mul3A_578 : i32
            %swap3A_742 = arith.index_cast %add3A_741 : i32 to index
            %swap3A_743 = tpu.vector_load %arg7[%swap3A_742] {strides = array<i32>} : memref<16384xi32, #tpu.memory_space<vmem>>, vector<16xi32>,
            %swap3A_744 = vector.shape_cast %swap3A_743 : vector<16xi32> to vector<16xi32>
            %swap3A_745 = vector.shape_cast %add3A_738 : vector<16xi32> to vector<16xi32>
            tpu.vector_store %arg7[%swap3A_742], %swap3A_745 {strides = array<i32>} : memref<16384xi32, #tpu.memory_space<vmem>>, vector<16xi32>,
            %and3A_746 = arith.constant 524287 : i32
            %and3A_747 = vector.broadcast %and3A_746 : i32 to vector<16xi32>
            %and3A_748 = arith.andi %xor3A_646, %and3A_747 : vector<16xi32>
            %and3A_749 = arith.constant -128 : i32
            %and3A_750 = vector.broadcast %and3A_749 : i32 to vector<16xi32>
            %and3A_751 = arith.andi %and3A_748, %and3A_750 : vector<16xi32>
            %add3A_752 = arith.addi %and3A_748, %and3A_751 : vector<16xi32>
            %add3A_753 = arith.constant 4096 : i32
            %add3A_754 = arith.addi %mul3A_136, %add3A_753 : i32
            %add3A_755 = arith.addi %add3A_754, %mul3A_578 : i32
            %swap3A_756 = arith.index_cast %add3A_755 : i32 to index
            %swap3A_757 = tpu.vector_load %arg7[%swap3A_756] {strides = array<i32>} : memref<16384xi32, #tpu.memory_space<vmem>>, vector<16xi32>,
            %swap3A_758 = vector.shape_cast %swap3A_757 : vector<16xi32> to vector<16xi32>
            %swap3A_759 = vector.shape_cast %add3A_752 : vector<16xi32> to vector<16xi32>
            tpu.vector_store %arg7[%swap3A_756], %swap3A_759 {strides = array<i32>} : memref<16384xi32, #tpu.memory_space<vmem>>, vector<16xi32>,
            %add3A_760 = arith.constant 128 : i32
            %add3A_761 = vector.broadcast %add3A_760 : i32 to vector<16xi32>
            %add3A_762 = arith.addi %add3A_752, %add3A_761 : vector<16xi32>
            %add3A_763 = arith.constant 4608 : i32
            %add3A_764 = arith.addi %mul3A_136, %add3A_763 : i32
            %add3A_765 = arith.addi %add3A_764, %mul3A_578 : i32
            %swap3A_766 = arith.index_cast %add3A_765 : i32 to index
            %swap3A_767 = tpu.vector_load %arg7[%swap3A_766] {strides = array<i32>} : memref<16384xi32, #tpu.memory_space<vmem>>, vector<16xi32>,
            %swap3A_768 = vector.shape_cast %swap3A_767 : vector<16xi32> to vector<16xi32>
            %swap3A_769 = vector.shape_cast %add3A_762 : vector<16xi32> to vector<16xi32>
            tpu.vector_store %arg7[%swap3A_766], %swap3A_769 {strides = array<i32>} : memref<16384xi32, #tpu.memory_space<vmem>>, vector<16xi32>,
            %and3A_770 = arith.constant 524287 : i32
            %and3A_771 = vector.broadcast %and3A_770 : i32 to vector<16xi32>
            %and3A_772 = arith.andi %xor3A_647, %and3A_771 : vector<16xi32>
            %and3A_773 = arith.constant -128 : i32
            %and3A_774 = vector.broadcast %and3A_773 : i32 to vector<16xi32>
            %and3A_775 = arith.andi %and3A_772, %and3A_774 : vector<16xi32>
            %add3A_776 = arith.addi %and3A_772, %and3A_775 : vector<16xi32>
            %add3A_777 = arith.constant 5120 : i32
            %add3A_778 = arith.addi %mul3A_136, %add3A_777 : i32
            %add3A_779 = arith.addi %add3A_778, %mul3A_578 : i32
            %swap3A_780 = arith.index_cast %add3A_779 : i32 to index
            %swap3A_781 = tpu.vector_load %arg7[%swap3A_780] {strides = array<i32>} : memref<16384xi32, #tpu.memory_space<vmem>>, vector<16xi32>,
            %swap3A_782 = vector.shape_cast %swap3A_781 : vector<16xi32> to vector<16xi32>
            %swap3A_783 = vector.shape_cast %add3A_776 : vector<16xi32> to vector<16xi32>
            tpu.vector_store %arg7[%swap3A_780], %swap3A_783 {strides = array<i32>} : memref<16384xi32, #tpu.memory_space<vmem>>, vector<16xi32>,
            %add3A_784 = arith.constant 128 : i32
            %add3A_785 = vector.broadcast %add3A_784 : i32 to vector<16xi32>
            %add3A_786 = arith.addi %add3A_776, %add3A_785 : vector<16xi32>
            %add3A_787 = arith.constant 5632 : i32
            %add3A_788 = arith.addi %mul3A_136, %add3A_787 : i32
            %add3A_789 = arith.addi %add3A_788, %mul3A_578 : i32
            %swap3A_790 = arith.index_cast %add3A_789 : i32 to index
            %swap3A_791 = tpu.vector_load %arg7[%swap3A_790] {strides = array<i32>} : memref<16384xi32, #tpu.memory_space<vmem>>, vector<16xi32>,
            %swap3A_792 = vector.shape_cast %swap3A_791 : vector<16xi32> to vector<16xi32>
            %swap3A_793 = vector.shape_cast %add3A_786 : vector<16xi32> to vector<16xi32>
            tpu.vector_store %arg7[%swap3A_790], %swap3A_793 {strides = array<i32>} : memref<16384xi32, #tpu.memory_space<vmem>>, vector<16xi32>,
            %and3A_794 = arith.constant 524287 : i32
            %and3A_795 = vector.broadcast %and3A_794 : i32 to vector<16xi32>
            %and3A_796 = arith.andi %xor3A_648, %and3A_795 : vector<16xi32>
            %and3A_797 = arith.constant -128 : i32
            %and3A_798 = vector.broadcast %and3A_797 : i32 to vector<16xi32>
            %and3A_799 = arith.andi %and3A_796, %and3A_798 : vector<16xi32>
            %add3A_800 = arith.addi %and3A_796, %and3A_799 : vector<16xi32>
            %add3A_801 = arith.constant 6144 : i32
            %add3A_802 = arith.addi %mul3A_136, %add3A_801 : i32
            %add3A_803 = arith.addi %add3A_802, %mul3A_578 : i32
            %swap3A_804 = arith.index_cast %add3A_803 : i32 to index
            %swap3A_805 = tpu.vector_load %arg7[%swap3A_804] {strides = array<i32>} : memref<16384xi32, #tpu.memory_space<vmem>>, vector<16xi32>,
            %swap3A_806 = vector.shape_cast %swap3A_805 : vector<16xi32> to vector<16xi32>
            %swap3A_807 = vector.shape_cast %add3A_800 : vector<16xi32> to vector<16xi32>
            tpu.vector_store %arg7[%swap3A_804], %swap3A_807 {strides = array<i32>} : memref<16384xi32, #tpu.memory_space<vmem>>, vector<16xi32>,
            %add3A_808 = arith.constant 128 : i32
            %add3A_809 = vector.broadcast %add3A_808 : i32 to vector<16xi32>
            %add3A_810 = arith.addi %add3A_800, %add3A_809 : vector<16xi32>
            %add3A_811 = arith.constant 6656 : i32
            %add3A_812 = arith.addi %mul3A_136, %add3A_811 : i32
            %add3A_813 = arith.addi %add3A_812, %mul3A_578 : i32
            %swap3A_814 = arith.index_cast %add3A_813 : i32 to index
            %swap3A_815 = tpu.vector_load %arg7[%swap3A_814] {strides = array<i32>} : memref<16384xi32, #tpu.memory_space<vmem>>, vector<16xi32>,
            %swap3A_816 = vector.shape_cast %swap3A_815 : vector<16xi32> to vector<16xi32>
            %swap3A_817 = vector.shape_cast %add3A_810 : vector<16xi32> to vector<16xi32>
            tpu.vector_store %arg7[%swap3A_814], %swap3A_817 {strides = array<i32>} : memref<16384xi32, #tpu.memory_space<vmem>>, vector<16xi32>,
            %and3A_818 = arith.constant 524287 : i32
            %and3A_819 = vector.broadcast %and3A_818 : i32 to vector<16xi32>
            %and3A_820 = arith.andi %xor3A_649, %and3A_819 : vector<16xi32>
            %and3A_821 = arith.constant -128 : i32
            %and3A_822 = vector.broadcast %and3A_821 : i32 to vector<16xi32>
            %and3A_823 = arith.andi %and3A_820, %and3A_822 : vector<16xi32>
            %add3A_824 = arith.addi %and3A_820, %and3A_823 : vector<16xi32>
            %add3A_825 = arith.constant 7168 : i32
            %add3A_826 = arith.addi %mul3A_136, %add3A_825 : i32
            %add3A_827 = arith.addi %add3A_826, %mul3A_578 : i32
            %swap3A_828 = arith.index_cast %add3A_827 : i32 to index
            %swap3A_829 = tpu.vector_load %arg7[%swap3A_828] {strides = array<i32>} : memref<16384xi32, #tpu.memory_space<vmem>>, vector<16xi32>,
            %swap3A_830 = vector.shape_cast %swap3A_829 : vector<16xi32> to vector<16xi32>
            %swap3A_831 = vector.shape_cast %add3A_824 : vector<16xi32> to vector<16xi32>
            tpu.vector_store %arg7[%swap3A_828], %swap3A_831 {strides = array<i32>} : memref<16384xi32, #tpu.memory_space<vmem>>, vector<16xi32>,
            %add3A_832 = arith.constant 128 : i32
            %add3A_833 = vector.broadcast %add3A_832 : i32 to vector<16xi32>
            %add3A_834 = arith.addi %add3A_824, %add3A_833 : vector<16xi32>
            %add3A_835 = arith.constant 7680 : i32
            %add3A_836 = arith.addi %mul3A_136, %add3A_835 : i32
            %add3A_837 = arith.addi %add3A_836, %mul3A_578 : i32
            %swap3A_838 = arith.index_cast %add3A_837 : i32 to index
            %swap3A_839 = tpu.vector_load %arg7[%swap3A_838] {strides = array<i32>} : memref<16384xi32, #tpu.memory_space<vmem>>, vector<16xi32>,
            %swap3A_840 = vector.shape_cast %swap3A_839 : vector<16xi32> to vector<16xi32>
            %swap3A_841 = vector.shape_cast %add3A_834 : vector<16xi32> to vector<16xi32>
            tpu.vector_store %arg7[%swap3A_838], %swap3A_841 {strides = array<i32>} : memref<16384xi32, #tpu.memory_space<vmem>>, vector<16xi32>,
          }
          %scan3A_201 = arith.constant 16 : i32
          %eq3A_202 = arith.constant 0 : i32
          %eq3A_203 = arith.cmpi eq, %and3A_134, %eq3A_202 : i32
          %convert_element_type3A_204 = arith.extui %eq3A_203 : i1 to i32
          %cond3A_205 = arith.constant 0 : i32
          %cond3A_206 = arith.cmpi ne, %convert_element_type3A_204, %cond3A_205 : i32
          scf.if %cond3A_206 {
            %dma_start3A = tpu.memref_slice %arg8[%mul3A_136] : memref<16384xf32, #tpu.memory_space<vmem>> -> memref<8192xf32, #tpu.memory_space<vmem>>
            %dma_start3A_212 = tpu.memref_slice %arg7[%mul3A_136] : memref<16384xi32, #tpu.memory_space<vmem>> -> memref<8192xi32, #tpu.memory_space<vmem>>
            %dma_start3A_213 = arith.constant 0 : i32
            %dma_start3A_214 = tpu.memref_slice %arg5[%dma_start3A_213] : memref<1048576xf32, #tpu.memory_space<vmem_shared>> -> memref<1048576xf32, #tpu.memory_space<vmem_shared>>
            tpu.enqueue_indirect_dma source(%dma_start3A_214 : memref<1048576xf32, #tpu.memory_space<vmem_shared>>) target(%dma_start3A : memref<8192xf32, #tpu.memory_space<vmem>>) offsets(%dma_start3A_212 : memref<8192xi32, #tpu.memory_space<vmem>>) semaphore(%arg11 : memref<!tpu.dma_semaphore, #tpu.memory_space<semaphore_mem>>)
          } else {
          }
          %ne3A_207 = arith.constant 0 : i32
          %ne3A_208 = arith.cmpi ne, %and3A_134, %ne3A_207 : i32
          %convert_element_type3A_209 = arith.extui %ne3A_208 : i1 to i32
          %cond3A_210 = arith.constant 0 : i32
          %cond3A_211 = arith.cmpi ne, %convert_element_type3A_209, %cond3A_210 : i32
          scf.if %cond3A_211 {
            %dma_start3A = tpu.memref_slice %arg8[%mul3A_136] : memref<16384xf32, #tpu.memory_space<vmem>> -> memref<8192xf32, #tpu.memory_space<vmem>>
            %dma_start3A_212 = tpu.memref_slice %arg7[%mul3A_136] : memref<16384xi32, #tpu.memory_space<vmem>> -> memref<8192xi32, #tpu.memory_space<vmem>>
            %dma_start3A_213 = arith.constant 0 : i32
            %dma_start3A_214 = tpu.memref_slice %arg5[%dma_start3A_213] : memref<1048576xf32, #tpu.memory_space<vmem_shared>> -> memref<1048576xf32, #tpu.memory_space<vmem_shared>>
            tpu.enqueue_indirect_dma source(%dma_start3A_214 : memref<1048576xf32, #tpu.memory_space<vmem_shared>>) target(%dma_start3A : memref<8192xf32, #tpu.memory_space<vmem>>) offsets(%dma_start3A_212 : memref<8192xi32, #tpu.memory_space<vmem>>) semaphore(%arg12 : memref<!tpu.dma_semaphore, #tpu.memory_space<semaphore_mem>>)
          } else {
          }
        } else {
        }
        %add3A_141 = arith.constant 1 : i32
        %add3A_142 = arith.addi %scan3A_133, %add3A_141 : i32
        %lt3A_143 = arith.constant 32 : i32
        %lt3A_144 = arith.cmpi slt, %add3A_142, %lt3A_143 : i32
        %convert_element_type3A_145 = arith.extui %lt3A_144 : i1 to i32
        %cond3A_146 = arith.constant 0 : i32
        %cond3A_147 = arith.cmpi ne, %convert_element_type3A_145, %cond3A_146 : i32
        scf.if %cond3A_147 {
          %add3A_175 = arith.constant 1 : i32
          %add3A_176 = arith.addi %scan3A_133, %add3A_175 : i32
          %rem3A_177 = arith.constant 3 : i32
          %rem3A_178 = arith.remsi %add3A_176, %rem3A_177 : i32
          %eq3A_179 = arith.constant 0 : i32
          %eq3A_180 = arith.cmpi eq, %rem3A_178, %eq3A_179 : i32
          %convert_element_type3A_181 = arith.extui %eq3A_180 : i1 to i32
          %cond3A_182 = arith.constant 0 : i32
          %cond3A_183 = arith.cmpi ne, %convert_element_type3A_181, %cond3A_182 : i32
          scf.if %cond3A_183 {
            %mul3A_194 = arith.constant 512 : i32
            %mul3A_195 = arith.muli %add3A_176, %mul3A_194 : i32
            %add3A_196 = arith.addi %mul3A_0, %mul3A_195 : i32
            %mul3A_197 = arith.constant 3 : i32
            %mul3A_198 = arith.muli %add3A_196, %mul3A_197 : i32
            %dma_start3A = arith.constant 0 : i32
            %dma_start3A_199 = tpu.memref_slice %arg6[%dma_start3A] : memref<4608xf32, #tpu.memory_space<vmem>> -> memref<1536xf32, #tpu.memory_space<vmem>>
            %dma_start3A_200 = tpu.memref_slice %arg2[%mul3A_198] : memref<786432xf32, #tpu.memory_space<hbm>> -> memref<1536xf32, #tpu.memory_space<hbm>>
            %dma_start3A_201 = arith.constant 0 : i32
            %dma_start3A_202 = tpu.memref_slice %arg6[%dma_start3A_201] : memref<4608xf32, #tpu.memory_space<vmem>> -> memref<1536xf32, #tpu.memory_space<vmem>>
            %dma_start3A_203 = tpu.memref_slice %arg2[%mul3A_198] : memref<786432xf32, #tpu.memory_space<hbm>> -> memref<1536xf32, #tpu.memory_space<hbm>>
            tpu.enqueue_dma source(%dma_start3A_203 : memref<1536xf32, #tpu.memory_space<hbm>>) target(%dma_start3A_202 : memref<1536xf32, #tpu.memory_space<vmem>>) target_semaphore(%arg13 : memref<!tpu.dma_semaphore, #tpu.memory_space<semaphore_mem>>)
          } else {
          }
          %eq3A_184 = arith.constant 1 : i32
          %eq3A_185 = arith.cmpi eq, %rem3A_178, %eq3A_184 : i32
          %convert_element_type3A_186 = arith.extui %eq3A_185 : i1 to i32
          %cond3A_187 = arith.constant 0 : i32
          %cond3A_188 = arith.cmpi ne, %convert_element_type3A_186, %cond3A_187 : i32
          scf.if %cond3A_188 {
            %mul3A_194 = arith.constant 512 : i32
            %mul3A_195 = arith.muli %add3A_176, %mul3A_194 : i32
            %add3A_196 = arith.addi %mul3A_0, %mul3A_195 : i32
            %mul3A_197 = arith.constant 3 : i32
            %mul3A_198 = arith.muli %add3A_196, %mul3A_197 : i32
            %dma_start3A = arith.constant 1536 : i32
            %dma_start3A_199 = tpu.memref_slice %arg6[%dma_start3A] : memref<4608xf32, #tpu.memory_space<vmem>> -> memref<1536xf32, #tpu.memory_space<vmem>>
            %dma_start3A_200 = tpu.memref_slice %arg2[%mul3A_198] : memref<786432xf32, #tpu.memory_space<hbm>> -> memref<1536xf32, #tpu.memory_space<hbm>>
            %dma_start3A_201 = arith.constant 1536 : i32
            %dma_start3A_202 = tpu.memref_slice %arg6[%dma_start3A_201] : memref<4608xf32, #tpu.memory_space<vmem>> -> memref<1536xf32, #tpu.memory_space<vmem>>
            %dma_start3A_203 = tpu.memref_slice %arg2[%mul3A_198] : memref<786432xf32, #tpu.memory_space<hbm>> -> memref<1536xf32, #tpu.memory_space<hbm>>
            tpu.enqueue_dma source(%dma_start3A_203 : memref<1536xf32, #tpu.memory_space<hbm>>) target(%dma_start3A_202 : memref<1536xf32, #tpu.memory_space<vmem>>) target_semaphore(%arg14 : memref<!tpu.dma_semaphore, #tpu.memory_space<semaphore_mem>>)
          } else {
          }
          %eq3A_189 = arith.constant 2 : i32
          %eq3A_190 = arith.cmpi eq, %rem3A_178, %eq3A_189 : i32
          %convert_element_type3A_191 = arith.extui %eq3A_190 : i1 to i32
          %cond3A_192 = arith.constant 0 : i32
          %cond3A_193 = arith.cmpi ne, %convert_element_type3A_191, %cond3A_192 : i32
          scf.if %cond3A_193 {
            %mul3A_194 = arith.constant 512 : i32
            %mul3A_195 = arith.muli %add3A_176, %mul3A_194 : i32
            %add3A_196 = arith.addi %mul3A_0, %mul3A_195 : i32
            %mul3A_197 = arith.constant 3 : i32
            %mul3A_198 = arith.muli %add3A_196, %mul3A_197 : i32
            %dma_start3A = arith.constant 3072 : i32
            %dma_start3A_199 = tpu.memref_slice %arg6[%dma_start3A] : memref<4608xf32, #tpu.memory_space<vmem>> -> memref<1536xf32, #tpu.memory_space<vmem>>
            %dma_start3A_200 = tpu.memref_slice %arg2[%mul3A_198] : memref<786432xf32, #tpu.memory_space<hbm>> -> memref<1536xf32, #tpu.memory_space<hbm>>
            %dma_start3A_201 = arith.constant 3072 : i32
            %dma_start3A_202 = tpu.memref_slice %arg6[%dma_start3A_201] : memref<4608xf32, #tpu.memory_space<vmem>> -> memref<1536xf32, #tpu.memory_space<vmem>>
            %dma_start3A_203 = tpu.memref_slice %arg2[%mul3A_198] : memref<786432xf32, #tpu.memory_space<hbm>> -> memref<1536xf32, #tpu.memory_space<hbm>>
            tpu.enqueue_dma source(%dma_start3A_203 : memref<1536xf32, #tpu.memory_space<hbm>>) target(%dma_start3A_202 : memref<1536xf32, #tpu.memory_space<vmem>>) target_semaphore(%arg15 : memref<!tpu.dma_semaphore, #tpu.memory_space<semaphore_mem>>)
          } else {
          }
        } else {
        }
        %gt3A = arith.constant 0 : i32
        %gt3A_148 = arith.cmpi sgt, %scan3A_133, %gt3A : i32
        %convert_element_type3A_149 = arith.extui %gt3A_148 : i1 to i32
        %cond3A_150 = arith.constant 0 : i32
        %cond3A_151 = arith.cmpi ne, %convert_element_type3A_149, %cond3A_150 : i32
        scf.if %cond3A_151 {
          %sub3A = arith.constant 1 : i32
          %sub3A_175 = arith.subi %scan3A_133, %sub3A : i32
          %and3A_176 = arith.constant 1 : i32
          %and3A_177 = arith.andi %sub3A_175, %and3A_176 : i32
          %mul3A_178 = arith.constant 8192 : i32
          %mul3A_179 = arith.muli %and3A_177, %mul3A_178 : i32
          %eq3A_180 = arith.constant 0 : i32
          %eq3A_181 = arith.cmpi eq, %and3A_177, %eq3A_180 : i32
          %convert_element_type3A_182 = arith.extui %eq3A_181 : i1 to i32
          %cond3A_183 = arith.constant 0 : i32
          %cond3A_184 = arith.cmpi ne, %convert_element_type3A_182, %cond3A_183 : i32
          scf.if %cond3A_184 {
            %dma_wait3A = tpu.memref_slice %arg8[%mul3A_179] : memref<16384xf32, #tpu.memory_space<vmem>> -> memref<8192xf32, #tpu.memory_space<vmem>>
            %dma_wait3A_218 = tpu.memref_slice %arg7[%mul3A_179] : memref<16384xi32, #tpu.memory_space<vmem>> -> memref<8192xi32, #tpu.memory_space<vmem>>
            %dma_wait3A_219 = arith.constant 0 : i32
            %dma_wait3A_220 = tpu.memref_slice %arg5[%dma_wait3A_219] : memref<1048576xf32, #tpu.memory_space<vmem_shared>> -> memref<1048576xf32, #tpu.memory_space<vmem_shared>>
            tpu.wait_indirect_dma semaphore(%arg11 : memref<!tpu.dma_semaphore, #tpu.memory_space<semaphore_mem>>) src(%dma_wait3A_220 : memref<1048576xf32, #tpu.memory_space<vmem_shared>>) dst(%dma_wait3A : memref<8192xf32, #tpu.memory_space<vmem>>)
          } else {
          }
          %ne3A_185 = arith.constant 0 : i32
          %ne3A_186 = arith.cmpi ne, %and3A_177, %ne3A_185 : i32
          %convert_element_type3A_187 = arith.extui %ne3A_186 : i1 to i32
          %cond3A_188 = arith.constant 0 : i32
          %cond3A_189 = arith.cmpi ne, %convert_element_type3A_187, %cond3A_188 : i32
          scf.if %cond3A_189 {
            %dma_wait3A = tpu.memref_slice %arg8[%mul3A_179] : memref<16384xf32, #tpu.memory_space<vmem>> -> memref<8192xf32, #tpu.memory_space<vmem>>
            %dma_wait3A_218 = tpu.memref_slice %arg7[%mul3A_179] : memref<16384xi32, #tpu.memory_space<vmem>> -> memref<8192xi32, #tpu.memory_space<vmem>>
            %dma_wait3A_219 = arith.constant 0 : i32
            %dma_wait3A_220 = tpu.memref_slice %arg5[%dma_wait3A_219] : memref<1048576xf32, #tpu.memory_space<vmem_shared>> -> memref<1048576xf32, #tpu.memory_space<vmem_shared>>
            tpu.wait_indirect_dma semaphore(%arg12 : memref<!tpu.dma_semaphore, #tpu.memory_space<semaphore_mem>>) src(%dma_wait3A_220 : memref<1048576xf32, #tpu.memory_space<vmem_shared>>) dst(%dma_wait3A : memref<8192xf32, #tpu.memory_space<vmem>>)
          } else {
          }
          %sub3A_190 = arith.constant 1 : i32
          %sub3A_191 = arith.subi %scan3A_133, %sub3A_190 : i32
          %mul3A_192 = arith.constant 8192 : i32
          %mul3A_193 = arith.muli %and3A_177, %mul3A_192 : i32
          %jit3A_194 = arith.constant 8 : i32
          %eq3A_195 = arith.constant 0 : i32
          %eq3A_196 = arith.cmpi eq, %jit3A_194, %eq3A_195 : i32
          %jit3A_197 = arith.constant 1 : i32
          %select_n3A_198 = arith.select %eq3A_196, %jit3A_197, %jit3A_194 : i32
          %rem3A_199 = arith.remsi %sub3A_191, %select_n3A_198 : i32
          %ne3A_200 = arith.constant 0 : i32
          %ne3A_201 = arith.cmpi ne, %rem3A_199, %ne3A_200 : i32
          %lt3A_202 = arith.constant 0 : i32
          %lt3A_203 = arith.cmpi slt, %rem3A_199, %lt3A_202 : i32
          %lt3A_204 = arith.constant 0 : i32
          %lt3A_205 = arith.cmpi slt, %select_n3A_198, %lt3A_204 : i32
          %ne3A_206 = arith.xori %lt3A_203, %lt3A_205 : i1
          %and3A_207 = arith.andi %ne3A_206, %ne3A_201 : i1
          %add3A_208 = arith.addi %rem3A_199, %select_n3A_198 : i32
          %select_n3A_209 = arith.select %and3A_207, %add3A_208, %rem3A_199 : i32
          %mul3A_210 = arith.constant 512 : i32
          %mul3A_211 = arith.muli %select_n3A_209, %mul3A_210 : i32
          %scan3A_212 = arith.constant 0 : i32
          %scan3A_213 = arith.constant 0 : i32
          %scan3A_214 = arith.constant 16 : i32
          %scan3A_215 = arith.addi %scan3A_213, %scan3A_214 : i32
          %scan3A_216 = arith.constant 1 : i32
          scf.for %scan3A_218 = %scan3A_213 to %scan3A_215 step %scan3A_216  : i32 {
            %mul3A_219 = arith.constant 2 : i32
            %mul3A_220 = arith.muli %scan3A_218, %mul3A_219 : i32
            %mul3A_221 = arith.constant 16 : i32
            %mul3A_222 = arith.muli %mul3A_220, %mul3A_221 : i32
            %jit3A_223 = arith.constant 8192 : i32
            %div3A = arith.divsi %mul3A_193, %jit3A_223 : i32
            %sign3A = arith.constant 0 : i32
            %sign3A_224 = arith.cmpi sgt, %mul3A_193, %sign3A : i32
            %sign3A_225 = arith.extui %sign3A_224 : i1 to i32
            %sign3A_226 = arith.constant 0 : i32
            %sign3A_227 = arith.cmpi slt, %mul3A_193, %sign3A_226 : i32
            %sign3A_228 = arith.extui %sign3A_227 : i1 to i32
            %sign3A_229 = arith.subi %sign3A_225, %sign3A_228 : i32
            %sign3A_230 = arith.constant 0 : i32
            %sign3A_231 = arith.cmpi sgt, %jit3A_223, %sign3A_230 : i32
            %sign3A_232 = arith.extui %sign3A_231 : i1 to i32
            %sign3A_233 = arith.constant 0 : i32
            %sign3A_234 = arith.cmpi slt, %jit3A_223, %sign3A_233 : i32
            %sign3A_235 = arith.extui %sign3A_234 : i1 to i32
            %sign3A_236 = arith.subi %sign3A_232, %sign3A_235 : i32
            %ne3A_237 = arith.cmpi ne, %sign3A_229, %sign3A_236 : i32
            %rem3A_238 = arith.remsi %mul3A_193, %jit3A_223 : i32
            %ne3A_239 = arith.constant 0 : i32
            %ne3A_240 = arith.cmpi ne, %rem3A_238, %ne3A_239 : i32
            %and3A_241 = arith.andi %ne3A_237, %ne3A_240 : i1
            %sub3A_242 = arith.constant 1 : i32
            %sub3A_243 = arith.subi %div3A, %sub3A_242 : i32
            %select_n3A_244 = arith.select %and3A_241, %sub3A_243, %div3A : i32
            %mul3A_245 = arith.constant 3 : i32
            %mul3A_246 = arith.muli %select_n3A_244, %mul3A_245 : i32
            %mul3A_247 = arith.constant 512 : i32
            %mul3A_248 = arith.muli %mul3A_246, %mul3A_247 : i32
            %add3A_249 = arith.addi %mul3A_248, %mul3A_222 : i32
            %get3A = arith.index_cast %add3A_249 : i32 to index
            %get3A_250 = tpu.vector_load %arg10[%get3A] {strides = array<i32>} : memref<3072xf32, #tpu.memory_space<vmem>>, vector<16xf32>,
            %get3A_251 = vector.shape_cast %get3A_250 : vector<16xf32> to vector<16xf32>
            %add3A_252 = arith.constant 512 : i32
            %add3A_253 = arith.addi %mul3A_248, %add3A_252 : i32
            %add3A_254 = arith.addi %add3A_253, %mul3A_222 : i32
            %get3A_255 = arith.index_cast %add3A_254 : i32 to index
            %get3A_256 = tpu.vector_load %arg10[%get3A_255] {strides = array<i32>} : memref<3072xf32, #tpu.memory_space<vmem>>, vector<16xf32>,
            %get3A_257 = vector.shape_cast %get3A_256 : vector<16xf32> to vector<16xf32>
            %add3A_258 = arith.constant 1024 : i32
            %add3A_259 = arith.addi %mul3A_248, %add3A_258 : i32
            %add3A_260 = arith.addi %add3A_259, %mul3A_222 : i32
            %get3A_261 = arith.index_cast %add3A_260 : i32 to index
            %get3A_262 = tpu.vector_load %arg10[%get3A_261] {strides = array<i32>} : memref<3072xf32, #tpu.memory_space<vmem>>, vector<16xf32>,
            %get3A_263 = vector.shape_cast %get3A_262 : vector<16xf32> to vector<16xf32>
            %add3A_264 = arith.constant 0 : i32
            %add3A_265 = arith.addi %mul3A_193, %add3A_264 : i32
            %add3A_266 = arith.addi %add3A_265, %mul3A_222 : i32
            %get3A_267 = arith.index_cast %add3A_266 : i32 to index
            %get3A_268 = tpu.vector_load %arg8[%get3A_267] {strides = array<i32>} : memref<16384xf32, #tpu.memory_space<vmem>>, vector<16xf32>,
            %get3A_269 = vector.shape_cast %get3A_268 : vector<16xf32> to vector<16xf32>
            %add3A_270 = arith.constant 1024 : i32
            %add3A_271 = arith.addi %mul3A_193, %add3A_270 : i32
            %add3A_272 = arith.addi %add3A_271, %mul3A_222 : i32
            %get3A_273 = arith.index_cast %add3A_272 : i32 to index
            %get3A_274 = tpu.vector_load %arg8[%get3A_273] {strides = array<i32>} : memref<16384xf32, #tpu.memory_space<vmem>>, vector<16xf32>,
            %get3A_275 = vector.shape_cast %get3A_274 : vector<16xf32> to vector<16xf32>
            %add3A_276 = arith.constant 2048 : i32
            %add3A_277 = arith.addi %mul3A_193, %add3A_276 : i32
            %add3A_278 = arith.addi %add3A_277, %mul3A_222 : i32
            %get3A_279 = arith.index_cast %add3A_278 : i32 to index
            %get3A_280 = tpu.vector_load %arg8[%get3A_279] {strides = array<i32>} : memref<16384xf32, #tpu.memory_space<vmem>>, vector<16xf32>,
            %get3A_281 = vector.shape_cast %get3A_280 : vector<16xf32> to vector<16xf32>
            %add3A_282 = arith.constant 3072 : i32
            %add3A_283 = arith.addi %mul3A_193, %add3A_282 : i32
            %add3A_284 = arith.addi %add3A_283, %mul3A_222 : i32
            %get3A_285 = arith.index_cast %add3A_284 : i32 to index
            %get3A_286 = tpu.vector_load %arg8[%get3A_285] {strides = array<i32>} : memref<16384xf32, #tpu.memory_space<vmem>>, vector<16xf32>,
            %get3A_287 = vector.shape_cast %get3A_286 : vector<16xf32> to vector<16xf32>
            %add3A_288 = arith.constant 4096 : i32
            %add3A_289 = arith.addi %mul3A_193, %add3A_288 : i32
            %add3A_290 = arith.addi %add3A_289, %mul3A_222 : i32
            %get3A_291 = arith.index_cast %add3A_290 : i32 to index
            %get3A_292 = tpu.vector_load %arg8[%get3A_291] {strides = array<i32>} : memref<16384xf32, #tpu.memory_space<vmem>>, vector<16xf32>,
            %get3A_293 = vector.shape_cast %get3A_292 : vector<16xf32> to vector<16xf32>
            %add3A_294 = arith.constant 5120 : i32
            %add3A_295 = arith.addi %mul3A_193, %add3A_294 : i32
            %add3A_296 = arith.addi %add3A_295, %mul3A_222 : i32
            %get3A_297 = arith.index_cast %add3A_296 : i32 to index
            %get3A_298 = tpu.vector_load %arg8[%get3A_297] {strides = array<i32>} : memref<16384xf32, #tpu.memory_space<vmem>>, vector<16xf32>,
            %get3A_299 = vector.shape_cast %get3A_298 : vector<16xf32> to vector<16xf32>
            %add3A_300 = arith.constant 6144 : i32
            %add3A_301 = arith.addi %mul3A_193, %add3A_300 : i32
            %add3A_302 = arith.addi %add3A_301, %mul3A_222 : i32
            %get3A_303 = arith.index_cast %add3A_302 : i32 to index
            %get3A_304 = tpu.vector_load %arg8[%get3A_303] {strides = array<i32>} : memref<16384xf32, #tpu.memory_space<vmem>>, vector<16xf32>,
            %get3A_305 = vector.shape_cast %get3A_304 : vector<16xf32> to vector<16xf32>
            %add3A_306 = arith.constant 7168 : i32
            %add3A_307 = arith.addi %mul3A_193, %add3A_306 : i32
            %add3A_308 = arith.addi %add3A_307, %mul3A_222 : i32
            %get3A_309 = arith.index_cast %add3A_308 : i32 to index
            %get3A_310 = tpu.vector_load %arg8[%get3A_309] {strides = array<i32>} : memref<16384xf32, #tpu.memory_space<vmem>>, vector<16xf32>,
            %get3A_311 = vector.shape_cast %get3A_310 : vector<16xf32> to vector<16xf32>
            %sub3A_312 = arith.subf %get3A_269, %get3A_287 : vector<16xf32>
            %mul3A_313 = arith.mulf %get3A_251, %sub3A_312 : vector<16xf32>
            %add3A_314 = arith.addf %get3A_287, %mul3A_313 : vector<16xf32>
            %sub3A_315 = arith.subf %get3A_275, %get3A_281 : vector<16xf32>
            %mul3A_316 = arith.mulf %get3A_251, %sub3A_315 : vector<16xf32>
            %add3A_317 = arith.addf %get3A_281, %mul3A_316 : vector<16xf32>
            %sub3A_318 = arith.subf %get3A_299, %get3A_305 : vector<16xf32>
            %mul3A_319 = arith.mulf %get3A_251, %sub3A_318 : vector<16xf32>
            %add3A_320 = arith.addf %get3A_305, %mul3A_319 : vector<16xf32>
            %sub3A_321 = arith.subf %get3A_293, %get3A_311 : vector<16xf32>
            %mul3A_322 = arith.mulf %get3A_251, %sub3A_321 : vector<16xf32>
            %add3A_323 = arith.addf %get3A_311, %mul3A_322 : vector<16xf32>
            %sub3A_324 = arith.subf %add3A_314, %add3A_317 : vector<16xf32>
            %mul3A_325 = arith.mulf %get3A_257, %sub3A_324 : vector<16xf32>
            %add3A_326 = arith.addf %add3A_317, %mul3A_325 : vector<16xf32>
            %sub3A_327 = arith.subf %add3A_323, %add3A_320 : vector<16xf32>
            %mul3A_328 = arith.mulf %get3A_257, %sub3A_327 : vector<16xf32>
            %add3A_329 = arith.addf %add3A_320, %mul3A_328 : vector<16xf32>
            %sub3A_330 = arith.subf %add3A_326, %add3A_329 : vector<16xf32>
            %mul3A_331 = arith.mulf %get3A_263, %sub3A_330 : vector<16xf32>
            %add3A_332 = arith.addf %add3A_329, %mul3A_331 : vector<16xf32>
            %add3A_333 = arith.addi %mul3A_211, %mul3A_222 : i32
            %swap3A = arith.constant 0 : i32
            %swap3A_334 = arith.index_cast %swap3A : i32 to index
            %swap3A_335 = arith.index_cast %add3A_333 : i32 to index
            %swap3A_336 = tpu.vector_load %arg9[%swap3A_334, %swap3A_335] {strides = array<i32>} : memref<2x4096xf32, #tpu.memory_space<vmem>>, vector<1x16xf32>,
            %swap3A_337 = vector.shape_cast %swap3A_336 : vector<1x16xf32> to vector<16xf32>
            %swap3A_338 = vector.shape_cast %add3A_332 : vector<16xf32> to vector<1x16xf32>
            tpu.vector_store %arg9[%swap3A_334, %swap3A_335], %swap3A_338 {strides = array<i32>} : memref<2x4096xf32, #tpu.memory_space<vmem>>, vector<1x16xf32>,
            %add3A_339 = arith.constant 512 : i32
            %add3A_340 = arith.addi %mul3A_193, %add3A_339 : i32
            %add3A_341 = arith.addi %add3A_340, %mul3A_222 : i32
            %get3A_342 = arith.index_cast %add3A_341 : i32 to index
            %get3A_343 = tpu.vector_load %arg8[%get3A_342] {strides = array<i32>} : memref<16384xf32, #tpu.memory_space<vmem>>, vector<16xf32>,
            %get3A_344 = vector.shape_cast %get3A_343 : vector<16xf32> to vector<16xf32>
            %add3A_345 = arith.constant 1536 : i32
            %add3A_346 = arith.addi %mul3A_193, %add3A_345 : i32
            %add3A_347 = arith.addi %add3A_346, %mul3A_222 : i32
            %get3A_348 = arith.index_cast %add3A_347 : i32 to index
            %get3A_349 = tpu.vector_load %arg8[%get3A_348] {strides = array<i32>} : memref<16384xf32, #tpu.memory_space<vmem>>, vector<16xf32>,
            %get3A_350 = vector.shape_cast %get3A_349 : vector<16xf32> to vector<16xf32>
            %add3A_351 = arith.constant 2560 : i32
            %add3A_352 = arith.addi %mul3A_193, %add3A_351 : i32
            %add3A_353 = arith.addi %add3A_352, %mul3A_222 : i32
            %get3A_354 = arith.index_cast %add3A_353 : i32 to index
            %get3A_355 = tpu.vector_load %arg8[%get3A_354] {strides = array<i32>} : memref<16384xf32, #tpu.memory_space<vmem>>, vector<16xf32>,
            %get3A_356 = vector.shape_cast %get3A_355 : vector<16xf32> to vector<16xf32>
            %add3A_357 = arith.constant 3584 : i32
            %add3A_358 = arith.addi %mul3A_193, %add3A_357 : i32
            %add3A_359 = arith.addi %add3A_358, %mul3A_222 : i32
            %get3A_360 = arith.index_cast %add3A_359 : i32 to index
            %get3A_361 = tpu.vector_load %arg8[%get3A_360] {strides = array<i32>} : memref<16384xf32, #tpu.memory_space<vmem>>, vector<16xf32>,
            %get3A_362 = vector.shape_cast %get3A_361 : vector<16xf32> to vector<16xf32>
            %add3A_363 = arith.constant 4608 : i32
            %add3A_364 = arith.addi %mul3A_193, %add3A_363 : i32
            %add3A_365 = arith.addi %add3A_364, %mul3A_222 : i32
            %get3A_366 = arith.index_cast %add3A_365 : i32 to index
            %get3A_367 = tpu.vector_load %arg8[%get3A_366] {strides = array<i32>} : memref<16384xf32, #tpu.memory_space<vmem>>, vector<16xf32>,
            %get3A_368 = vector.shape_cast %get3A_367 : vector<16xf32> to vector<16xf32>
            %add3A_369 = arith.constant 5632 : i32
            %add3A_370 = arith.addi %mul3A_193, %add3A_369 : i32
            %add3A_371 = arith.addi %add3A_370, %mul3A_222 : i32
            %get3A_372 = arith.index_cast %add3A_371 : i32 to index
            %get3A_373 = tpu.vector_load %arg8[%get3A_372] {strides = array<i32>} : memref<16384xf32, #tpu.memory_space<vmem>>, vector<16xf32>,
            %get3A_374 = vector.shape_cast %get3A_373 : vector<16xf32> to vector<16xf32>
            %add3A_375 = arith.constant 6656 : i32
            %add3A_376 = arith.addi %mul3A_193, %add3A_375 : i32
            %add3A_377 = arith.addi %add3A_376, %mul3A_222 : i32
            %get3A_378 = arith.index_cast %add3A_377 : i32 to index
            %get3A_379 = tpu.vector_load %arg8[%get3A_378] {strides = array<i32>} : memref<16384xf32, #tpu.memory_space<vmem>>, vector<16xf32>,
            %get3A_380 = vector.shape_cast %get3A_379 : vector<16xf32> to vector<16xf32>
            %add3A_381 = arith.constant 7680 : i32
            %add3A_382 = arith.addi %mul3A_193, %add3A_381 : i32
            %add3A_383 = arith.addi %add3A_382, %mul3A_222 : i32
            %get3A_384 = arith.index_cast %add3A_383 : i32 to index
            %get3A_385 = tpu.vector_load %arg8[%get3A_384] {strides = array<i32>} : memref<16384xf32, #tpu.memory_space<vmem>>, vector<16xf32>,
            %get3A_386 = vector.shape_cast %get3A_385 : vector<16xf32> to vector<16xf32>
            %sub3A_387 = arith.subf %get3A_344, %get3A_362 : vector<16xf32>
            %mul3A_388 = arith.mulf %get3A_251, %sub3A_387 : vector<16xf32>
            %add3A_389 = arith.addf %get3A_362, %mul3A_388 : vector<16xf32>
            %sub3A_390 = arith.subf %get3A_350, %get3A_356 : vector<16xf32>
            %mul3A_391 = arith.mulf %get3A_251, %sub3A_390 : vector<16xf32>
            %add3A_392 = arith.addf %get3A_356, %mul3A_391 : vector<16xf32>
            %sub3A_393 = arith.subf %get3A_374, %get3A_380 : vector<16xf32>
            %mul3A_394 = arith.mulf %get3A_251, %sub3A_393 : vector<16xf32>
            %add3A_395 = arith.addf %get3A_380, %mul3A_394 : vector<16xf32>
            %sub3A_396 = arith.subf %get3A_368, %get3A_386 : vector<16xf32>
            %mul3A_397 = arith.mulf %get3A_251, %sub3A_396 : vector<16xf32>
            %add3A_398 = arith.addf %get3A_386, %mul3A_397 : vector<16xf32>
            %sub3A_399 = arith.subf %add3A_389, %add3A_392 : vector<16xf32>
            %mul3A_400 = arith.mulf %get3A_257, %sub3A_399 : vector<16xf32>
            %add3A_401 = arith.addf %add3A_392, %mul3A_400 : vector<16xf32>
            %sub3A_402 = arith.subf %add3A_398, %add3A_395 : vector<16xf32>
            %mul3A_403 = arith.mulf %get3A_257, %sub3A_402 : vector<16xf32>
            %add3A_404 = arith.addf %add3A_395, %mul3A_403 : vector<16xf32>
            %sub3A_405 = arith.subf %add3A_401, %add3A_404 : vector<16xf32>
            %mul3A_406 = arith.mulf %get3A_263, %sub3A_405 : vector<16xf32>
            %add3A_407 = arith.addf %add3A_404, %mul3A_406 : vector<16xf32>
            %add3A_408 = arith.addi %mul3A_211, %mul3A_222 : i32
            %swap3A_409 = arith.constant 1 : i32
            %swap3A_410 = arith.index_cast %swap3A_409 : i32 to index
            %swap3A_411 = arith.index_cast %add3A_408 : i32 to index
            %swap3A_412 = tpu.vector_load %arg9[%swap3A_410, %swap3A_411] {strides = array<i32>} : memref<2x4096xf32, #tpu.memory_space<vmem>>, vector<1x16xf32>,
            %swap3A_413 = vector.shape_cast %swap3A_412 : vector<1x16xf32> to vector<16xf32>
            %swap3A_414 = vector.shape_cast %add3A_407 : vector<16xf32> to vector<1x16xf32>
            tpu.vector_store %arg9[%swap3A_410, %swap3A_411], %swap3A_414 {strides = array<i32>} : memref<2x4096xf32, #tpu.memory_space<vmem>>, vector<1x16xf32>,
            %mul3A_415 = arith.constant 2 : i32
            %mul3A_416 = arith.muli %scan3A_218, %mul3A_415 : i32
            %add3A_417 = arith.constant 1 : i32
            %add3A_418 = arith.addi %mul3A_416, %add3A_417 : i32
            %mul3A_419 = arith.constant 16 : i32
            %mul3A_420 = arith.muli %add3A_418, %mul3A_419 : i32
            %jit3A_421 = arith.constant 8192 : i32
            %div3A_422 = arith.divsi %mul3A_193, %jit3A_421 : i32
            %sign3A_423 = arith.constant 0 : i32
            %sign3A_424 = arith.cmpi sgt, %mul3A_193, %sign3A_423 : i32
            %sign3A_425 = arith.extui %sign3A_424 : i1 to i32
            %sign3A_426 = arith.constant 0 : i32
            %sign3A_427 = arith.cmpi slt, %mul3A_193, %sign3A_426 : i32
            %sign3A_428 = arith.extui %sign3A_427 : i1 to i32
            %sign3A_429 = arith.subi %sign3A_425, %sign3A_428 : i32
            %sign3A_430 = arith.constant 0 : i32
            %sign3A_431 = arith.cmpi sgt, %jit3A_421, %sign3A_430 : i32
            %sign3A_432 = arith.extui %sign3A_431 : i1 to i32
            %sign3A_433 = arith.constant 0 : i32
            %sign3A_434 = arith.cmpi slt, %jit3A_421, %sign3A_433 : i32
            %sign3A_435 = arith.extui %sign3A_434 : i1 to i32
            %sign3A_436 = arith.subi %sign3A_432, %sign3A_435 : i32
            %ne3A_437 = arith.cmpi ne, %sign3A_429, %sign3A_436 : i32
            %rem3A_438 = arith.remsi %mul3A_193, %jit3A_421 : i32
            %ne3A_439 = arith.constant 0 : i32
            %ne3A_440 = arith.cmpi ne, %rem3A_438, %ne3A_439 : i32
            %and3A_441 = arith.andi %ne3A_437, %ne3A_440 : i1
            %sub3A_442 = arith.constant 1 : i32
            %sub3A_443 = arith.subi %div3A_422, %sub3A_442 : i32
            %select_n3A_444 = arith.select %and3A_441, %sub3A_443, %div3A_422 : i32
            %mul3A_445 = arith.constant 3 : i32
            %mul3A_446 = arith.muli %select_n3A_444, %mul3A_445 : i32
            %mul3A_447 = arith.constant 512 : i32
            %mul3A_448 = arith.muli %mul3A_446, %mul3A_447 : i32
            %add3A_449 = arith.addi %mul3A_448, %mul3A_420 : i32
            %get3A_450 = arith.index_cast %add3A_449 : i32 to index
            %get3A_451 = tpu.vector_load %arg10[%get3A_450] {strides = array<i32>} : memref<3072xf32, #tpu.memory_space<vmem>>, vector<16xf32>,
            %get3A_452 = vector.shape_cast %get3A_451 : vector<16xf32> to vector<16xf32>
            %add3A_453 = arith.constant 512 : i32
            %add3A_454 = arith.addi %mul3A_448, %add3A_453 : i32
            %add3A_455 = arith.addi %add3A_454, %mul3A_420 : i32
            %get3A_456 = arith.index_cast %add3A_455 : i32 to index
            %get3A_457 = tpu.vector_load %arg10[%get3A_456] {strides = array<i32>} : memref<3072xf32, #tpu.memory_space<vmem>>, vector<16xf32>,
            %get3A_458 = vector.shape_cast %get3A_457 : vector<16xf32> to vector<16xf32>
            %add3A_459 = arith.constant 1024 : i32
            %add3A_460 = arith.addi %mul3A_448, %add3A_459 : i32
            %add3A_461 = arith.addi %add3A_460, %mul3A_420 : i32
            %get3A_462 = arith.index_cast %add3A_461 : i32 to index
            %get3A_463 = tpu.vector_load %arg10[%get3A_462] {strides = array<i32>} : memref<3072xf32, #tpu.memory_space<vmem>>, vector<16xf32>,
            %get3A_464 = vector.shape_cast %get3A_463 : vector<16xf32> to vector<16xf32>
            %add3A_465 = arith.constant 0 : i32
            %add3A_466 = arith.addi %mul3A_193, %add3A_465 : i32
            %add3A_467 = arith.addi %add3A_466, %mul3A_420 : i32
            %get3A_468 = arith.index_cast %add3A_467 : i32 to index
            %get3A_469 = tpu.vector_load %arg8[%get3A_468] {strides = array<i32>} : memref<16384xf32, #tpu.memory_space<vmem>>, vector<16xf32>,
            %get3A_470 = vector.shape_cast %get3A_469 : vector<16xf32> to vector<16xf32>
            %add3A_471 = arith.constant 1024 : i32
            %add3A_472 = arith.addi %mul3A_193, %add3A_471 : i32
            %add3A_473 = arith.addi %add3A_472, %mul3A_420 : i32
            %get3A_474 = arith.index_cast %add3A_473 : i32 to index
            %get3A_475 = tpu.vector_load %arg8[%get3A_474] {strides = array<i32>} : memref<16384xf32, #tpu.memory_space<vmem>>, vector<16xf32>,
            %get3A_476 = vector.shape_cast %get3A_475 : vector<16xf32> to vector<16xf32>
            %add3A_477 = arith.constant 2048 : i32
            %add3A_478 = arith.addi %mul3A_193, %add3A_477 : i32
            %add3A_479 = arith.addi %add3A_478, %mul3A_420 : i32
            %get3A_480 = arith.index_cast %add3A_479 : i32 to index
            %get3A_481 = tpu.vector_load %arg8[%get3A_480] {strides = array<i32>} : memref<16384xf32, #tpu.memory_space<vmem>>, vector<16xf32>,
            %get3A_482 = vector.shape_cast %get3A_481 : vector<16xf32> to vector<16xf32>
            %add3A_483 = arith.constant 3072 : i32
            %add3A_484 = arith.addi %mul3A_193, %add3A_483 : i32
            %add3A_485 = arith.addi %add3A_484, %mul3A_420 : i32
            %get3A_486 = arith.index_cast %add3A_485 : i32 to index
            %get3A_487 = tpu.vector_load %arg8[%get3A_486] {strides = array<i32>} : memref<16384xf32, #tpu.memory_space<vmem>>, vector<16xf32>,
            %get3A_488 = vector.shape_cast %get3A_487 : vector<16xf32> to vector<16xf32>
            %add3A_489 = arith.constant 4096 : i32
            %add3A_490 = arith.addi %mul3A_193, %add3A_489 : i32
            %add3A_491 = arith.addi %add3A_490, %mul3A_420 : i32
            %get3A_492 = arith.index_cast %add3A_491 : i32 to index
            %get3A_493 = tpu.vector_load %arg8[%get3A_492] {strides = array<i32>} : memref<16384xf32, #tpu.memory_space<vmem>>, vector<16xf32>,
            %get3A_494 = vector.shape_cast %get3A_493 : vector<16xf32> to vector<16xf32>
            %add3A_495 = arith.constant 5120 : i32
            %add3A_496 = arith.addi %mul3A_193, %add3A_495 : i32
            %add3A_497 = arith.addi %add3A_496, %mul3A_420 : i32
            %get3A_498 = arith.index_cast %add3A_497 : i32 to index
            %get3A_499 = tpu.vector_load %arg8[%get3A_498] {strides = array<i32>} : memref<16384xf32, #tpu.memory_space<vmem>>, vector<16xf32>,
            %get3A_500 = vector.shape_cast %get3A_499 : vector<16xf32> to vector<16xf32>
            %add3A_501 = arith.constant 6144 : i32
            %add3A_502 = arith.addi %mul3A_193, %add3A_501 : i32
            %add3A_503 = arith.addi %add3A_502, %mul3A_420 : i32
            %get3A_504 = arith.index_cast %add3A_503 : i32 to index
            %get3A_505 = tpu.vector_load %arg8[%get3A_504] {strides = array<i32>} : memref<16384xf32, #tpu.memory_space<vmem>>, vector<16xf32>,
            %get3A_506 = vector.shape_cast %get3A_505 : vector<16xf32> to vector<16xf32>
            %add3A_507 = arith.constant 7168 : i32
            %add3A_508 = arith.addi %mul3A_193, %add3A_507 : i32
            %add3A_509 = arith.addi %add3A_508, %mul3A_420 : i32
            %get3A_510 = arith.index_cast %add3A_509 : i32 to index
            %get3A_511 = tpu.vector_load %arg8[%get3A_510] {strides = array<i32>} : memref<16384xf32, #tpu.memory_space<vmem>>, vector<16xf32>,
            %get3A_512 = vector.shape_cast %get3A_511 : vector<16xf32> to vector<16xf32>
            %sub3A_513 = arith.subf %get3A_470, %get3A_488 : vector<16xf32>
            %mul3A_514 = arith.mulf %get3A_452, %sub3A_513 : vector<16xf32>
            %add3A_515 = arith.addf %get3A_488, %mul3A_514 : vector<16xf32>
            %sub3A_516 = arith.subf %get3A_476, %get3A_482 : vector<16xf32>
            %mul3A_517 = arith.mulf %get3A_452, %sub3A_516 : vector<16xf32>
            %add3A_518 = arith.addf %get3A_482, %mul3A_517 : vector<16xf32>
            %sub3A_519 = arith.subf %get3A_500, %get3A_506 : vector<16xf32>
            %mul3A_520 = arith.mulf %get3A_452, %sub3A_519 : vector<16xf32>
            %add3A_521 = arith.addf %get3A_506, %mul3A_520 : vector<16xf32>
            %sub3A_522 = arith.subf %get3A_494, %get3A_512 : vector<16xf32>
            %mul3A_523 = arith.mulf %get3A_452, %sub3A_522 : vector<16xf32>
            %add3A_524 = arith.addf %get3A_512, %mul3A_523 : vector<16xf32>
            %sub3A_525 = arith.subf %add3A_515, %add3A_518 : vector<16xf32>
            %mul3A_526 = arith.mulf %get3A_458, %sub3A_525 : vector<16xf32>
            %add3A_527 = arith.addf %add3A_518, %mul3A_526 : vector<16xf32>
            %sub3A_528 = arith.subf %add3A_524, %add3A_521 : vector<16xf32>
            %mul3A_529 = arith.mulf %get3A_458, %sub3A_528 : vector<16xf32>
            %add3A_530 = arith.addf %add3A_521, %mul3A_529 : vector<16xf32>
            %sub3A_531 = arith.subf %add3A_527, %add3A_530 : vector<16xf32>
            %mul3A_532 = arith.mulf %get3A_464, %sub3A_531 : vector<16xf32>
            %add3A_533 = arith.addf %add3A_530, %mul3A_532 : vector<16xf32>
            %add3A_534 = arith.addi %mul3A_211, %mul3A_420 : i32
            %swap3A_535 = arith.constant 0 : i32
            %swap3A_536 = arith.index_cast %swap3A_535 : i32 to index
            %swap3A_537 = arith.index_cast %add3A_534 : i32 to index
            %swap3A_538 = tpu.vector_load %arg9[%swap3A_536, %swap3A_537] {strides = array<i32>} : memref<2x4096xf32, #tpu.memory_space<vmem>>, vector<1x16xf32>,
            %swap3A_539 = vector.shape_cast %swap3A_538 : vector<1x16xf32> to vector<16xf32>
            %swap3A_540 = vector.shape_cast %add3A_533 : vector<16xf32> to vector<1x16xf32>
            tpu.vector_store %arg9[%swap3A_536, %swap3A_537], %swap3A_540 {strides = array<i32>} : memref<2x4096xf32, #tpu.memory_space<vmem>>, vector<1x16xf32>,
            %add3A_541 = arith.constant 512 : i32
            %add3A_542 = arith.addi %mul3A_193, %add3A_541 : i32
            %add3A_543 = arith.addi %add3A_542, %mul3A_420 : i32
            %get3A_544 = arith.index_cast %add3A_543 : i32 to index
            %get3A_545 = tpu.vector_load %arg8[%get3A_544] {strides = array<i32>} : memref<16384xf32, #tpu.memory_space<vmem>>, vector<16xf32>,
            %get3A_546 = vector.shape_cast %get3A_545 : vector<16xf32> to vector<16xf32>
            %add3A_547 = arith.constant 1536 : i32
            %add3A_548 = arith.addi %mul3A_193, %add3A_547 : i32
            %add3A_549 = arith.addi %add3A_548, %mul3A_420 : i32
            %get3A_550 = arith.index_cast %add3A_549 : i32 to index
            %get3A_551 = tpu.vector_load %arg8[%get3A_550] {strides = array<i32>} : memref<16384xf32, #tpu.memory_space<vmem>>, vector<16xf32>,
            %get3A_552 = vector.shape_cast %get3A_551 : vector<16xf32> to vector<16xf32>
            %add3A_553 = arith.constant 2560 : i32
            %add3A_554 = arith.addi %mul3A_193, %add3A_553 : i32
            %add3A_555 = arith.addi %add3A_554, %mul3A_420 : i32
            %get3A_556 = arith.index_cast %add3A_555 : i32 to index
            %get3A_557 = tpu.vector_load %arg8[%get3A_556] {strides = array<i32>} : memref<16384xf32, #tpu.memory_space<vmem>>, vector<16xf32>,
            %get3A_558 = vector.shape_cast %get3A_557 : vector<16xf32> to vector<16xf32>
            %add3A_559 = arith.constant 3584 : i32
            %add3A_560 = arith.addi %mul3A_193, %add3A_559 : i32
            %add3A_561 = arith.addi %add3A_560, %mul3A_420 : i32
            %get3A_562 = arith.index_cast %add3A_561 : i32 to index
            %get3A_563 = tpu.vector_load %arg8[%get3A_562] {strides = array<i32>} : memref<16384xf32, #tpu.memory_space<vmem>>, vector<16xf32>,
            %get3A_564 = vector.shape_cast %get3A_563 : vector<16xf32> to vector<16xf32>
            %add3A_565 = arith.constant 4608 : i32
            %add3A_566 = arith.addi %mul3A_193, %add3A_565 : i32
            %add3A_567 = arith.addi %add3A_566, %mul3A_420 : i32
            %get3A_568 = arith.index_cast %add3A_567 : i32 to index
            %get3A_569 = tpu.vector_load %arg8[%get3A_568] {strides = array<i32>} : memref<16384xf32, #tpu.memory_space<vmem>>, vector<16xf32>,
            %get3A_570 = vector.shape_cast %get3A_569 : vector<16xf32> to vector<16xf32>
            %add3A_571 = arith.constant 5632 : i32
            %add3A_572 = arith.addi %mul3A_193, %add3A_571 : i32
            %add3A_573 = arith.addi %add3A_572, %mul3A_420 : i32
            %get3A_574 = arith.index_cast %add3A_573 : i32 to index
            %get3A_575 = tpu.vector_load %arg8[%get3A_574] {strides = array<i32>} : memref<16384xf32, #tpu.memory_space<vmem>>, vector<16xf32>,
            %get3A_576 = vector.shape_cast %get3A_575 : vector<16xf32> to vector<16xf32>
            %add3A_577 = arith.constant 6656 : i32
            %add3A_578 = arith.addi %mul3A_193, %add3A_577 : i32
            %add3A_579 = arith.addi %add3A_578, %mul3A_420 : i32
            %get3A_580 = arith.index_cast %add3A_579 : i32 to index
            %get3A_581 = tpu.vector_load %arg8[%get3A_580] {strides = array<i32>} : memref<16384xf32, #tpu.memory_space<vmem>>, vector<16xf32>,
            %get3A_582 = vector.shape_cast %get3A_581 : vector<16xf32> to vector<16xf32>
            %add3A_583 = arith.constant 7680 : i32
            %add3A_584 = arith.addi %mul3A_193, %add3A_583 : i32
            %add3A_585 = arith.addi %add3A_584, %mul3A_420 : i32
            %get3A_586 = arith.index_cast %add3A_585 : i32 to index
            %get3A_587 = tpu.vector_load %arg8[%get3A_586] {strides = array<i32>} : memref<16384xf32, #tpu.memory_space<vmem>>, vector<16xf32>,
            %get3A_588 = vector.shape_cast %get3A_587 : vector<16xf32> to vector<16xf32>
            %sub3A_589 = arith.subf %get3A_546, %get3A_564 : vector<16xf32>
            %mul3A_590 = arith.mulf %get3A_452, %sub3A_589 : vector<16xf32>
            %add3A_591 = arith.addf %get3A_564, %mul3A_590 : vector<16xf32>
            %sub3A_592 = arith.subf %get3A_552, %get3A_558 : vector<16xf32>
            %mul3A_593 = arith.mulf %get3A_452, %sub3A_592 : vector<16xf32>
            %add3A_594 = arith.addf %get3A_558, %mul3A_593 : vector<16xf32>
            %sub3A_595 = arith.subf %get3A_576, %get3A_582 : vector<16xf32>
            %mul3A_596 = arith.mulf %get3A_452, %sub3A_595 : vector<16xf32>
            %add3A_597 = arith.addf %get3A_582, %mul3A_596 : vector<16xf32>
            %sub3A_598 = arith.subf %get3A_570, %get3A_588 : vector<16xf32>
            %mul3A_599 = arith.mulf %get3A_452, %sub3A_598 : vector<16xf32>
            %add3A_600 = arith.addf %get3A_588, %mul3A_599 : vector<16xf32>
            %sub3A_601 = arith.subf %add3A_591, %add3A_594 : vector<16xf32>
            %mul3A_602 = arith.mulf %get3A_458, %sub3A_601 : vector<16xf32>
            %add3A_603 = arith.addf %add3A_594, %mul3A_602 : vector<16xf32>
            %sub3A_604 = arith.subf %add3A_600, %add3A_597 : vector<16xf32>
            %mul3A_605 = arith.mulf %get3A_458, %sub3A_604 : vector<16xf32>
            %add3A_606 = arith.addf %add3A_597, %mul3A_605 : vector<16xf32>
            %sub3A_607 = arith.subf %add3A_603, %add3A_606 : vector<16xf32>
            %mul3A_608 = arith.mulf %get3A_464, %sub3A_607 : vector<16xf32>
            %add3A_609 = arith.addf %add3A_606, %mul3A_608 : vector<16xf32>
            %add3A_610 = arith.addi %mul3A_211, %mul3A_420 : i32
            %swap3A_611 = arith.constant 1 : i32
            %swap3A_612 = arith.index_cast %swap3A_611 : i32 to index
            %swap3A_613 = arith.index_cast %add3A_610 : i32 to index
            %swap3A_614 = tpu.vector_load %arg9[%swap3A_612, %swap3A_613] {strides = array<i32>} : memref<2x4096xf32, #tpu.memory_space<vmem>>, vector<1x16xf32>,
            %swap3A_615 = vector.shape_cast %swap3A_614 : vector<1x16xf32> to vector<16xf32>
            %swap3A_616 = vector.shape_cast %add3A_609 : vector<16xf32> to vector<1x16xf32>
            tpu.vector_store %arg9[%swap3A_612, %swap3A_613], %swap3A_616 {strides = array<i32>} : memref<2x4096xf32, #tpu.memory_space<vmem>>, vector<1x16xf32>,
          }
          %scan3A_217 = arith.constant 16 : i32
        } else {
        }
        %gt3A_152 = arith.constant 0 : i32
        %gt3A_153 = arith.cmpi sgt, %scan3A_133, %gt3A_152 : i32
        %jit3A_154 = arith.constant 8 : i32
        %eq3A_155 = arith.constant 0 : i32
        %eq3A_156 = arith.cmpi eq, %jit3A_154, %eq3A_155 : i32
        %jit3A_157 = arith.constant 1 : i32
        %select_n3A_158 = arith.select %eq3A_156, %jit3A_157, %jit3A_154 : i32
        %rem3A_159 = arith.remsi %scan3A_133, %select_n3A_158 : i32
        %ne3A = arith.constant 0 : i32
        %ne3A_160 = arith.cmpi ne, %rem3A_159, %ne3A : i32
        %lt3A_161 = arith.constant 0 : i32
        %lt3A_162 = arith.cmpi slt, %rem3A_159, %lt3A_161 : i32
        %lt3A_163 = arith.constant 0 : i32
        %lt3A_164 = arith.cmpi slt, %select_n3A_158, %lt3A_163 : i32
        %ne3A_165 = arith.xori %lt3A_162, %lt3A_164 : i1
        %and3A_166 = arith.andi %ne3A_165, %ne3A_160 : i1
        %add3A_167 = arith.addi %rem3A_159, %select_n3A_158 : i32
        %select_n3A_168 = arith.select %and3A_166, %add3A_167, %rem3A_159 : i32
        %eq3A_169 = arith.constant 0 : i32
        %eq3A_170 = arith.cmpi eq, %select_n3A_168, %eq3A_169 : i32
        %and3A_171 = arith.andi %gt3A_153, %eq3A_170 : i1
        %convert_element_type3A_172 = arith.extui %and3A_171 : i1 to i32
        %cond3A_173 = arith.constant 0 : i32
        %cond3A_174 = arith.cmpi ne, %convert_element_type3A_172, %cond3A_173 : i32
        scf.if %cond3A_174 {
          %mul3A_175 = arith.constant 2 : i32
          %mul3A_176 = arith.muli %add3A, %mul3A_175 : i32
          %jit3A_177 = arith.constant 8 : i32
          %div3A = arith.divsi %scan3A_133, %jit3A_177 : i32
          %sign3A = arith.constant 0 : i32
          %sign3A_178 = arith.cmpi sgt, %scan3A_133, %sign3A : i32
          %sign3A_179 = arith.extui %sign3A_178 : i1 to i32
          %sign3A_180 = arith.constant 0 : i32
          %sign3A_181 = arith.cmpi slt, %scan3A_133, %sign3A_180 : i32
          %sign3A_182 = arith.extui %sign3A_181 : i1 to i32
          %sign3A_183 = arith.subi %sign3A_179, %sign3A_182 : i32
          %sign3A_184 = arith.constant 0 : i32
          %sign3A_185 = arith.cmpi sgt, %jit3A_177, %sign3A_184 : i32
          %sign3A_186 = arith.extui %sign3A_185 : i1 to i32
          %sign3A_187 = arith.constant 0 : i32
          %sign3A_188 = arith.cmpi slt, %jit3A_177, %sign3A_187 : i32
          %sign3A_189 = arith.extui %sign3A_188 : i1 to i32
          %sign3A_190 = arith.subi %sign3A_186, %sign3A_189 : i32
          %ne3A_191 = arith.cmpi ne, %sign3A_183, %sign3A_190 : i32
          %rem3A_192 = arith.remsi %scan3A_133, %jit3A_177 : i32
          %ne3A_193 = arith.constant 0 : i32
          %ne3A_194 = arith.cmpi ne, %rem3A_192, %ne3A_193 : i32
          %and3A_195 = arith.andi %ne3A_191, %ne3A_194 : i1
          %sub3A = arith.constant 1 : i32
          %sub3A_196 = arith.subi %div3A, %sub3A : i32
          %select_n3A_197 = arith.select %and3A_195, %sub3A_196, %div3A : i32
          %sub3A_198 = arith.constant 1 : i32
          %sub3A_199 = arith.subi %select_n3A_197, %sub3A_198 : i32
          %mul3A_200 = arith.constant 4096 : i32
          %mul3A_201 = arith.muli %sub3A_199, %mul3A_200 : i32
          %add3A_202 = arith.addi %mul3A_0, %mul3A_201 : i32
          "tpu.region"() ({
            %run_scoped3A = tpu.sem_alloc : memref<!tpu.dma_semaphore, #tpu.memory_space<semaphore_mem>>
            %dma_start3A = tpu.memref_slice %arg4[%mul3A_176, %add3A_202] : memref<32x262144xf32, #tpu.memory_space<hbm>> -> memref<2x4096xf32, #tpu.memory_space<hbm>>
            %dma_start3A_203 = tpu.memref_slice %arg4[%mul3A_176, %add3A_202] : memref<32x262144xf32, #tpu.memory_space<hbm>> -> memref<2x4096xf32, #tpu.memory_space<hbm>>
            tpu.enqueue_dma source(%arg9 : memref<2x4096xf32, #tpu.memory_space<vmem>>) target(%dma_start3A_203 : memref<2x4096xf32, #tpu.memory_space<hbm>>) target_semaphore(%run_scoped3A : memref<!tpu.dma_semaphore, #tpu.memory_space<semaphore_mem>>)
            %dma_wait3A = tpu.memref_slice %arg4[%mul3A_176, %add3A_202] : memref<32x262144xf32, #tpu.memory_space<hbm>> -> memref<2x4096xf32, #tpu.memory_space<hbm>>
            %dma_wait3A_204 = tpu.memref_slice %arg4[%mul3A_176, %add3A_202] : memref<32x262144xf32, #tpu.memory_space<hbm>> -> memref<2x4096xf32, #tpu.memory_space<hbm>>
            tpu.wait_dma2 semaphore(%run_scoped3A : memref<!tpu.dma_semaphore, #tpu.memory_space<semaphore_mem>>) src(%arg9 : memref<2x4096xf32, #tpu.memory_space<vmem>>) dst(%dma_wait3A_204 : memref<2x4096xf32, #tpu.memory_space<hbm>>)
            tpu.yield
          }) : () -> ()
        } else {
        }
      }
      %scan3A_132 = arith.constant 33 : i32
    }
    %scan3A_5 = arith.constant 8 : i32
    return
  }
}

module attributes {stable_mosaic.version = 14 : i64} {
  func.func @body(%arg0: i32, %arg1: memref<32x4096xf32, #tpu.memory_space<vmem>>, %arg2: memref<32x32xf32, #tpu.memory_space<vmem>>, %arg3: memref<32x32xf32, #tpu.memory_space<vmem>>, %arg4: memref<8x32xf32, #tpu.memory_space<vmem>>, %arg5: memref<32x4x128xf32, #tpu.memory_space<vmem>>) attributes {dimension_semantics = [#tpu.dimension_semantics<arbitrary>], iteration_bounds = array<i64: 64>, scalar_prefetch = 0 : i64, scratch_operands = 0 : i64, tpu.core_type = #tpu.core_type<tc>, window_params = [{transform_indices = @transform_0, window_bounds = array<i64: 32, 4096>}, {pipeline_mode = #tpu.pipeline_mode<synchronous>, transform_indices = @transform_1, window_bounds = array<i64: 32, 32>}, {pipeline_mode = #tpu.pipeline_mode<synchronous>, transform_indices = @transform_2, window_bounds = array<i64: 32, 32>}, {pipeline_mode = #tpu.pipeline_mode<synchronous>, transform_indices = @transform_3, window_bounds = array<i64: 8, 32>}, {transform_indices = @transform_4, window_bounds = array<i64: 32, 4, 128>}]} {
    %get3A = arith.constant 0 : index
    %get3A_0 = arith.constant 0 : index
    %get3A_1 = vector.load %arg1[%get3A, %get3A_0] : memref<32x4096xf32, #tpu.memory_space<vmem>>, vector<32x4096xf32>
    %get3A_2 = arith.constant 0 : index
    %get3A_3 = arith.constant 0 : index
    %get3A_4 = vector.load %arg2[%get3A_2, %get3A_3] : memref<32x32xf32, #tpu.memory_space<vmem>>, vector<32x32xf32>
    %dot_general3A = arith.constant dense<0.000000e+00> : vector<32x4096xf32>
    %dot_general3A_5 = tpu.matmul %get3A_4, %get3A_1, %dot_general3A {dimension_numbers = #tpu.dot_dimension_numbers<[1], [0], [0], [1], [0, 0, 1, 1], [], []>, transpose_lhs_hint = false} : vector<32x32xf32>, vector<32x4096xf32>, vector<32x4096xf32> -> vector<32x4096xf32>
    %max3A = arith.constant 0.000000e+00 : f32
    %max3A_6 = vector.broadcast %max3A : f32 to vector<32x4096xf32>
    %max3A_7 = arith.maximumf %dot_general3A_5, %max3A_6 : vector<32x4096xf32>
    %get3A_8 = arith.constant 0 : index
    %get3A_9 = arith.constant 0 : index
    %get3A_10 = vector.load %arg3[%get3A_8, %get3A_9] : memref<32x32xf32, #tpu.memory_space<vmem>>, vector<32x32xf32>
    %dot_general3A_11 = arith.constant dense<0.000000e+00> : vector<32x4096xf32>
    %dot_general3A_12 = tpu.matmul %get3A_10, %max3A_7, %dot_general3A_11 {dimension_numbers = #tpu.dot_dimension_numbers<[1], [0], [0], [1], [0, 0, 1, 1], [], []>, transpose_lhs_hint = false} : vector<32x32xf32>, vector<32x4096xf32>, vector<32x4096xf32> -> vector<32x4096xf32>
    %max3A_13 = arith.constant 0.000000e+00 : f32
    %max3A_14 = vector.broadcast %max3A_13 : f32 to vector<32x4096xf32>
    %max3A_15 = arith.maximumf %dot_general3A_12, %max3A_14 : vector<32x4096xf32>
    %get3A_16 = arith.constant 0 : index
    %get3A_17 = arith.constant 0 : index
    %get3A_18 = vector.load %arg4[%get3A_16, %get3A_17] : memref<8x32xf32, #tpu.memory_space<vmem>>, vector<8x32xf32>
    %dot_general3A_19 = arith.constant dense<0.000000e+00> : vector<8x4096xf32>
    %dot_general3A_20 = tpu.matmul %get3A_18, %max3A_15, %dot_general3A_19 {dimension_numbers = #tpu.dot_dimension_numbers<[1], [0], [0], [1], [0, 0, 1, 1], [], []>, transpose_lhs_hint = false} : vector<8x32xf32>, vector<32x4096xf32>, vector<8x4096xf32> -> vector<8x4096xf32>
    %slice3A = vector.extract_strided_slice %dot_general3A_20 {offsets = [0, 0], sizes = [4, 4096], strides = [1, 1]} : vector<8x4096xf32> to vector<4x4096xf32>
    %reshape3A = vector.shape_cast %slice3A : vector<4x4096xf32> to vector<4x32x128xf32>
    %transpose3A = tpu.transpose %reshape3A, [1, 0, 2] : vector<4x32x128xf32> -> vector<32x4x128xf32>
    %swap3A = arith.constant 0 : index
    %swap3A_21 = arith.constant 0 : index
    %swap3A_22 = arith.constant 0 : index
    %swap3A_23 = vector.load %arg5[%swap3A, %swap3A_21, %swap3A_22] : memref<32x4x128xf32, #tpu.memory_space<vmem>>, vector<32x4x128xf32>
    tpu.vector_store %arg5[%swap3A, %swap3A_21, %swap3A_22], %transpose3A {strides = array<i32>} : memref<32x4x128xf32, #tpu.memory_space<vmem>>, vector<32x4x128xf32>,
    return
  }
  func.func @transform_0(%arg0: i32) -> (i32, i32) {
    %c0_i32 = arith.constant 0 : i32
    %c0_i32_0 = arith.constant 0 : i32
    return %c0_i32, %arg0 : i32, i32
  }
  func.func @transform_1(%arg0: i32) -> (i32, i32) {
    %c0_i32 = arith.constant 0 : i32
    %c0_i32_0 = arith.constant 0 : i32
    %c0_i32_1 = arith.constant 0 : i32
    return %c0_i32, %c0_i32_0 : i32, i32
  }
  func.func @transform_2(%arg0: i32) -> (i32, i32) {
    %c0_i32 = arith.constant 0 : i32
    %c0_i32_0 = arith.constant 0 : i32
    %c0_i32_1 = arith.constant 0 : i32
    return %c0_i32, %c0_i32_0 : i32, i32
  }
  func.func @transform_3(%arg0: i32) -> (i32, i32) {
    %c0_i32 = arith.constant 0 : i32
    %c0_i32_0 = arith.constant 0 : i32
    %c0_i32_1 = arith.constant 0 : i32
    return %c0_i32, %c0_i32_0 : i32, i32
  }
  func.func @transform_4(%arg0: i32) -> (i32, i32, i32) {
    %c0_i32 = arith.constant 0 : i32
    %c0_i32_0 = arith.constant 0 : i32
    %c0_i32_1 = arith.constant 0 : i32
    return %arg0, %c0_i32, %c0_i32_0 : i32, i32, i32
  }
}

</mosaic_0001>

<sc_bundles>
// kernel: kernel.4.cloned.1.call-start
scs
__scs_entry_jumppad:
0x0: {  	(pc) =	sbr.rel $0x88, $3  }
0x1: {  	(tag) =	ssettag $0x0;
	lr =	simm.s32 $0x1  }
0x2: {  	[smem:$0x3F9C] =	sst lr;
	_ =	strace $0xD0000000  }
0x3: {  	_ = 	snop  }
0x4: {  	_ = 	snop  }
0x5: {  	_ = 	snop  }
0x6: {  	_ = 	snop  }
0x7: {  	_ = 	snop  }
__scs_overlays_trampoline_lowered:
0x8: {  	[smem:$0x3FAB] =	sst s0  }
0x9: {  	[smem:$0x3FAC] =	sst s1  }
0xa: {  	[smem:$0x3FAD] =	sst s2  }
0xb: {  	[smem:$0x3FAE] =	sst s3  }
0xc: {  	[smem:$0x3FAF] =	sst s4  }
0xd: {  	[smem:$0x3FB0] =	sst s5  }
0xe: {  	[smem:$0x3FB1] =	sst s6  }
0xf: {  	[smem:$0x3FB2] =	sst s7  }
0x10: {  	[smem:$0x3FB3] =	sst s8  }
0x11: {  	[smem:$0x3FB4] =	sst s9;
	s0 =	simm.s32 @!p0 $0x0  }
0x12: {  	s1 =	sld [smem:$0x3F9A];
	s0 =	simm.s32 @p0 $0x1  }
0x13: {  	[smem:$0x3FB5] =	sst s0;
	s0 =	simm.s32 @!p1 $0x0  }
0x14: {  	s2 =	sld [smem:$0x3F99];
	s0 =	simm.s32 @p1 $0x1  }
0x15: {  	[smem:$0x3FB6] =	sst s0;
	s0 =	simm.s32 @!p2 $0x0  }
0x16: {  	s3 =	sld [smem:$0x3FDB];
	s0 =	simm.s32 @p2 $0x1  }
0x17: {  	s4 =	simm.s32 $0x1BF5;
	[smem:$0x3FB8] =	sst s0  }
0x18: {  	s0 =	sld [smem:$0x3F9B];
	_ =	swait.ge [sflag:s4], $0x0  }
0x19: {  	s7 =	sld [smem:$0x3F9C]  }
0x1a: {  	s8 =	sadd.s32 $0xFFFFE003, lr  }
0x1b: {  	s9 =	sadd.s32 $0xFFFFFEF7, lr;
	s5 =	simm.s32 $0xFFFFFFFF;
	p2 =	slt.u32 s8, $0xFFFFF086  }
0x1c: {  	p1 =	slt.u32 s9, $0xF7A;
	s5 =	simm.s32 @!p2 $0x0  }
0x1d: {  	s5 =	simm.s32 @p1 $0x1;
	p0 =	seq.s32 s7, s2  }
0x1e: {  	s7 =	smul.u32 @!p0 $0xF7A, s2;
	p2 =	seq.s32 @!p0 s5, $0x0  }
0x1f: {  	s9 =	smul.u32 $0xF7A, s1;
	s8 =	simm.s32 @!p0 $0x1BF5;
	p2 =	por !p2, p0  }
0x20: {  	[sflag:s8] =	ssyncset.s32 @!p0 $0xFFFFF086;
	s6 =	sadd.s32 @!p0 s3, s7;
	s7 =	simm.s32 @!p0 $0x108  }
0x21: {  	s3 =	sadd.s32 s3, s9;
	s6 =	sadd.s32 @!p0 $0x88, s6;
	s7 =	simm.s32 @p2 $0x1082  }
0x22: {  	[simem:s7], [sflag:s8] =	dma.local @!p0 [hbm:s6], $0xF7A  }
0x23: {  	s9 =	sor.u32 $0xD0000000, s2;
	s6 =	simm.s32 $0x108;
	_ =	swait.ge @!p0 [sflag:s8], $0x0  }
0x24: {  	s3 =	sadd.s32 $0x88, s3;
	s6 =	simm.s32 @!p1 $0x1082;
	[sflag:s4] =	ssyncset.s32 $0xFFFFF086  }
0x25: {  	[simem:s6], [sflag:s4] =	dma.local [hbm:s3], $0xF7A  }
0x26: {  	[smem:$0x3F9C] =	sst s1;
	(tag) =	ssettag s2;
	_ =	strace s9  }
0x27: {  	s1 =	sld [smem:$0x3FAC]  }
0x28: {  	s2 =	sld [smem:$0x3FAD]  }
0x29: {  	s4 =	sld [smem:$0x3FAF]  }
0x2a: {  	p0 =	seq.s32 s5, $0x0;
	s5 =	sld [smem:$0x3FB0]  }
0x2b: {  	s6 =	sld [smem:$0x3FB1]  }
0x2c: {  	s7 =	sld [smem:$0x3FB2]  }
0x2d: {  	s3 =	simm.s32 $0x108;
	s8 =	sld [smem:$0x3FB3]  }
0x2e: {  	s3 =	simm.s32 @!p0 $0x1082;
	s9 =	sld [smem:$0x3FB4]  }
0x2f: {  	lr =	sadd.s32 s0, s3;
	s0 =	sld [smem:$0x3FAB]  }
0x30: {  	s3 =	sld [smem:$0x3FAE]  }
0x31: {  	[smem:$0x3FB7] =	sst s10  }
0x32: {  	s10 =	sld [smem:$0x3FB5];
	_ =	sdelay $0x3  }
0x33: {  	p0 =	seq.s32 s10, $0x1;
	s10 =	sld [smem:$0x3FB7];
	_ =	sdelay $0x3  }
0x34: {  	[smem:$0x3FB7] =	sst s10  }
0x35: {  	s10 =	sld [smem:$0x3FB6];
	_ =	sdelay $0x3  }
0x36: {  	p1 =	seq.s32 s10, $0x1;
	s10 =	sld [smem:$0x3FB7];
	_ =	sdelay $0x3  }
0x37: {  	[smem:$0x3FB7] =	sst s10  }
0x38: {  	s10 =	sld [smem:$0x3FB8]  }
0x39: {  	_ = 	snop;
	(pc) =	sbr.ind lr, $3  }
0x3a: {  	_ = 	snop  }
0x3b: {  	_ = 	snop  }
0x3c: {  	p2 =	seq.s32 s10, $0x1;
	s10 =	sld [smem:$0x3FB7]  }
0x3d: {  	_ =	shalt  }
0x3e: {  	_ =	shalt  }
0x3f: {  	_ =	shalt  }
0x40: {  	_ =	shalt  }
0x41: {  	_ =	shalt  }
0x42: {  	_ =	shalt  }
0x43: {  	_ =	shalt  }
0x44: {  	_ =	shalt  }
0x45: {  	_ =	shalt  }
0x46: {  	_ =	shalt  }
0x47: {  	_ =	shalt  }
0x48: {  	_ =	shalt  }
0x49: {  	_ =	shalt  }
0x4a: {  	_ =	shalt  }
0x4b: {  	_ =	shalt  }
0x4c: {  	_ =	shalt  }
0x4d: {  	_ =	shalt  }
0x4e: {  	_ =	shalt  }
0x4f: {  	_ =	shalt  }
0x50: {  	_ =	shalt  }
0x51: {  	_ =	shalt  }
0x52: {  	_ =	shalt  }
0x53: {  	_ =	shalt  }
0x54: {  	_ =	shalt  }
0x55: {  	_ =	shalt  }
0x56: {  	_ =	shalt  }
0x57: {  	_ =	shalt  }
0x58: {  	_ =	shalt  }
0x59: {  	_ =	shalt  }
0x5a: {  	_ =	shalt  }
0x5b: {  	_ =	shalt  }
0x5c: {  	_ =	shalt  }
0x5d: {  	_ =	shalt  }
0x5e: {  	_ =	shalt  }
0x5f: {  	_ =	shalt  }
0x60: {  	_ =	shalt  }
0x61: {  	_ =	shalt  }
0x62: {  	_ =	shalt  }
0x63: {  	_ =	shalt  }
0x64: {  	_ =	shalt  }
0x65: {  	_ =	shalt  }
0x66: {  	_ =	shalt  }
0x67: {  	_ =	shalt  }
0x68: {  	_ =	shalt  }
0x69: {  	_ =	shalt  }
0x6a: {  	_ =	shalt  }
0x6b: {  	_ =	shalt  }
0x6c: {  	_ =	shalt  }
0x6d: {  	_ =	shalt  }
0x6e: {  	_ =	shalt  }
0x6f: {  	_ =	shalt  }
0x70: {  	_ =	shalt  }
0x71: {  	_ =	shalt  }
0x72: {  	_ =	shalt  }
0x73: {  	_ =	shalt  }
0x74: {  	_ =	shalt  }
0x75: {  	_ =	shalt  }
0x76: {  	_ =	shalt  }
0x77: {  	_ =	shalt  }
0x78: {  	_ =	shalt  }
0x79: {  	_ =	shalt  }
0x7a: {  	_ =	shalt  }
0x7b: {  	_ =	shalt  }
0x7c: {  	_ =	shalt  }
0x7d: {  	_ =	shalt  }
0x7e: {  	_ =	shalt  }
0x7f: {  	_ =	shalt  }
0x80: {  	_ =	shalt  }
0x81: {  	_ =	shalt  }
0x82: {  	_ =	shalt  }
0x83: {  	_ =	shalt  }
0x84: {  	_ =	shalt  }
0x85: {  	_ =	shalt  }
0x86: {  	_ =	shalt  }
0x87: {  	_ =	shalt  }
.Lfunc_end0:
.L_simem_size_0:
called_computation_lowered:
.L_overlay_start_0:
0x88: {  	s2 =	sld [smem:$0x3FD9]  }
0x89: {  	s3 =	sld [smem:$0x3FFE];
	_ =	sdelay $0x1  }
0x8a: {  	s1 =	srdreg.scid  }
0x8b: {  	s0 =	sand.u32 $0x1, s1  }
0x8c: {  	s17 =	sshll.u32 s0, $0xA;
	s2 =	sadd.s32 s3, s2  }
0x8d: {  	s2 =	sadd.s32 s2, s17  }
0x8e: {  	[smem:$0x3FC3] =	sst s2  }
0x8f: {  	_ = 	snop  }
0x90: {  	s2 =	sld [smem:$0x3FC8]  }
0x91: {  	s18 =	sld [smem:$0x3FD0];
	(tm) =	ssettm $0x1  }
0x92: {  	s4 =	sld [smem:$0x3FFB];
	_ =	sdelay $0x3  }
0x93: {  	_ =	strace s4  }
0x94: {  	s4 =	sld [smem:$0x3FFC];
	_ =	sdelay $0x3  }
0x95: {  	_ =	strace s4  }
0x96: {  	s4 =	sld [smem:$0x3FFD];
	_ =	sdelay $0x3  }
0x97: {  	_ =	strace s4  }
0x98: {  	_ =	strace $0x8FFFFFFF  }
0x99: {  	s19 =	sld [smem:$0x3FDB];
	_ =	sdelay $0x1  }
0x9a: {  	s5 =	simm.s32 $_scs_section_size  }
0x9b: {  	s6 =	simm.s32 $_size__tile_overlayer_lowered;
	s7 =	simm.s32 $_tile_overlayer_lowered  }
0x9c: {  	s22 =	simm.s32 $0x1BFF;
	s21 =	sshll.u32 s7, $0x1;
	s4 =	sadd.s32 s5, s19  }
0x9d: {  	s8 =	simm.s32 $0x0;
	s20 =	sshll.u32 s6, $0x1;
	s6 =	sadd.s32 s21, s4  }
0x9e: {  	[timem:s8], [sflag:s22] =	dma.local [hbm:s6], s20  }
0x9f: {  	_ =	swait.ge [sflag:s22], s20  }
0xa0: {  	s5 =	ssub.s32 $0x0, s20;
	[sflag:s22] =	ssyncset.done $0x0  }
0xa1: {  	[sflag:s22] =	ssyncadd.s32 s5;
	_ =	sdelay $0x1  }
0xa2: {  	s23 =	simm.s32 $0x1B8B  }
0xa3: {  	_ =	swait.ge [sflag:s23], $0x1  }
0xa4: {  	[sflag:s23] =	ssyncset.done $0x0  }
0xa5: {  	s25 =	simm.s32 $0x1B8E;
	s24 =	sld [smem:$0x3FFE];
	[sflag:s23] =	ssyncadd.s32 $0xFFFFFFFF  }
0xa6: {  	s26 =	simm.s32 $execute0_lowered;
	[smem:$0x3FD2] =	sst s25  }
0xa7: {  	s6 =	sshll.u32 s26, $0x1;
	_ =	strace $0x80000046;
	[dreg:$0x1] =	wrdreg $0xFFFFFFFF  }
0xa8: {  	s28 =	simm.s32 $_size_execute0_lowered;
	s4 =	sadd.s32 s4, s6;
	[dreg:$0x0] =	wrdreg $0x0  }
0xa9: {  	s6 =	sshll.u32 s28, $0x1;
	[dreg:$0x2] =	wrdreg s4  }
0xaa: {  	[dreg:$0x3] =	wrdreg s6  }
0xab: {  	[dreg:$0x4] =	wrdreg $0xC0  }
0xac: {  	_ =	task [dreg:s8], $0x5FFFF  }
0xad: {  	[dreg:$0x1] =	wrdreg $0xFFFFFFFF  }
0xae: {  	[dreg:$0x0] =	wrdreg $0x60  }
0xaf: {  	[dreg:$0x2] =	wrdreg s18  }
0xb0: {  	[dreg:$0x3] =	wrdreg s2  }
0xb1: {  	[dreg:$0x4] =	wrdreg s24  }
0xb2: {  	[dreg:$0x5] =	wrdreg $0x0  }
0xb3: {  	[dreg:$0x6] =	wrdreg $0x9  }
0xb4: {  	_ =	task.clear_ibuf [dreg:s8], $0x7FFFF;
	_ =	strace $0x90000046  }
0xb5: {  	s29 =	simm.s32 $0x9;
	_ =	strace $0x80000048  }
0xb6: {  	_ =	swait.ge [sflag:s29], $0x1  }
0xb7: {  	[sflag:s29] =	ssyncadd.s32 $0xFFFFFFFF  }
0xb8: {  	_ =	strace $0x90000048  }
0xb9: {  	_ =	sfence  }
0xba: {  	s30 =	sld [smem:$0x0];
	_ =	sdelay $0x2  }
0xbb: {  	s31 =	sshll.u32 s1, $0xD;
	s1 =	sshrl.u32 s1, $0x2  }
0xbc: {  	s3 =	sand.u32 $0x4000, s31;
	s1 =	sadd.s32 s1, s30  }
0xbd: {  	s0 =	sor.u32 s3, s0;
	s1 =	sshll.u32 s1, $0x11  }
0xbe: {  	s0 =	sor.u32 s1, s0  }
0xbf: {  	s0 =	sadd.s32 $0x8F2B, s0  }
0xc0: {  	[sflag:s0] =	ssyncadd.remote.s32 $0x1  }
0xc1: {  	_ =	sfence.sel $0xFFFF  }
0xc2: {  	[dreg:$0x0] =	wrdreg $0xFFFFFFFF;
	(pc) =	sbr.abs _section_cstart, $3  }
0xc3: {  	[dreg:$0x1] =	wrdreg $0xFFFFFFFF  }
0xc4: {  	_ =	task.clear_ibuf [dreg:s8], $0x2FFFF;
	_ =	strace $0x9FFFFFFF  }
0xc5: {  	(tm) =	ssettm $0x7FFFFFFF  }
tec
execute0_lowered:
.L_overlay_start_1:
0x0: {  	(tag) =	ssettag $0x1  }
0x1: {  	s5 =	rddreg [dreg:$0x0]  }
0x2: {  	s0 =	rddreg [dreg:$0x2]  }
0x3: {  	s6 =	rddreg [dreg:$0x3]  }
0x4: {  	s1 =	srdreg.scid;
	s2 =	simm.s32 $0x0;
	s7 =	stileid.u32  }
0x5: {  	s1 =	sand.u32 $0x1, s1;
	[smem:$0x7FF] =	sst s2;
	s0 =	sadd.s32 $0xA00, s0  }
0x6: {  	s25 =	sshll.u32 s7, $0xE;
	_ =	strace $0x80000047;
	[smem:$0x7F5] =	sst s0  }
0x7: {  	s4 =	smul.u32 $0x1800, s7;
	s28 =	sshll.u32 s7, $0x10;
	[smem:$0x7F6] =	sst s25  }
0x8: {  	s23 =	ssub.s32 $0x2, s1;
	s1 =	sshll.u32 s1, $0x3;
	[smem:$0x7F9] =	sst s28  }
0x9: {  	s3 =	sshrl.u32 s23, $0x1;
	[smem:$0x7F7] =	sst s1  }
0xa: {  	s26 =	sadd.s32 s5, s4;
	s1 =	sadd.s32 s28, s6;
	s24 =	ssub.s32 s23, s3  }
.Ltmp0:
0xb: {  	[smem:$0x7F8] =	sst s26;
	s31 =	sshrl.u32 s1, $0x3;
	(pc) =	sbr.rel .LBB2_1-.Ltmp0, $4  }
0xc: {  	s29 =	sshll.u32 s7, $0x11;
	s0 =	smax.u32 s24, $0x1;
	[smem:$0x7FD] =	sst s31  }
0xd: {  	s30 =	sshll.u32 s7, $0x6;
	[smem:$0x7FA] =	sst s0;
	s0 =	sadd.s32 $0xFFFF8000, s29  }
0xe: {  	[smem:$0x7FB] =	sst s0;
	s0 =	sor.u32 $0x1C06, s30  }
0xf: {  	v0 =	vimm.f32 $0.0e+00;
	v1 =	vimm.s32 $0x0;
	s1 =	simm.s32 $0x0;
	[smem:$0x7FC] =	sst s0  }
.LBB2_20:
0x10: {  	s1 =	sld [smem:$0x7F4]  }
0x11: {  	s0 =	sld [smem:$0x7FA];
	_ =	sdelay $0x1  }
0x12: {  	s1 =	sadd.s32 $0x1, s1  }
0x13: {  	p0 =	sne.s32 s1, s0  }
.Ltmp1:
0x14: {  	_ = 	snop;
	(pc) =	sbr.rel @!p0 .LBB2_21-.Ltmp1, $1  }
0x15: {  	_ =	sdelay $0x3  }
.LBB2_1:
.Ltmp2:
0x16: {  	(pc) =	sbr.rel .LBB2_2-.Ltmp2, $2  }
0x17: {  	_ =	sdelay $0x2  }
0x18: {  	[smem:$0x7F4] =	sst s1;
	s1 =	simm.s32 $0x0  }
.LBB2_19:
0x19: {  	s1 =	sld [smem:$0x7F2];
	_ =	sdelay $0x2  }
0x1a: {  	s1 =	sadd.s32 $0x1, s1  }
0x1b: {  	p0 =	sne.s32 s1, $0x8  }
.Ltmp3:
0x1c: {  	_ = 	snop;
	(pc) =	sbr.rel @!p0 .LBB2_20-.Ltmp3, $1  }
0x1d: {  	_ =	sdelay $0x3  }
.LBB2_2:
0x1e: {  	s0 =	sld [smem:$0x7F7];
	_ =	sdelay $0x2  }
0x1f: {  	s22 =	sld [smem:$0x7F8];
	s0 =	sadd.s32 s0, s1  }
0x20: {  	v2 =	vmov s0  }
0x21: {  	s29 =	simm.s32 $0x0;
	s2 =	simm.s32 $0x10000;
	s24 =	sld [smem:$0x7F9];
	vm0 =	veq.s32 v2, $0x0  }
0x22: {  	[tilespmem:s2], [sflag:$0x3] =	stream.linear.gather [hbm4b:s22+s29], $0x600, $0x38;
	vm13 =	veq.s32 v2, $0x1;
	v3 =	vsel vm0, $0x41800000, v0;
	[tilespmem:$0x1BE00] =	vst v63  }
0x23: {  	[bflag:$0x0] =	sbarrier.arrive $0xFFFF;
	vm14 =	veq.s32 v2, $0x2;
	v3 =	vsel vm13, $0x41A80000, v3  }
0x24: {  	s23 =	sshll.u32 s0, $0x14;
	vm15 =	veq.s32 v2, $0x3;
	s26 =	sld [smem:$0x7FC];
	v3 =	vsel vm14, $0x41D80000, v3  }
0x25: {  	s4 =	smov.u32 s1;
	vm4 =	veq.s32 v2, $0x4;
	s1 =	sor.u32 s24, s23;
	s3 =	sld [smem:$0x7FD];
	v3 =	vsel vm15, $0x42100000, v3  }
0x26: {  	vm5 =	veq.s32 v2, $0x5;
	s25 =	rddreg [dreg:$0x1];
	s1 =	sshrl.u32 s1, $0x3;
	v3 =	vsel vm4, $0x42400000, v3  }
0x27: {  	s28 =	simm.s32 $0x6;
	vm6 =	veq.s32 v2, $0x6;
	s1 =	sadd.s32 s25, s1;
	v3 =	vsel vm5, $0x427C0000, v3  }
0x28: {  	vm7 =	veq.s32 v2, $0x7;
	[spmem:s3], [sflag:s26] =	dma.local [hbm:s1], $0x2000;
	v3 =	vsel vm6, $0x42A80000, v3  }
0x29: {  	vm8 =	veq.s32 v2, $0x8;
	_ =	swait.ge [sflag:s28], $0x2000;
	v3 =	vsel vm7, $0x42DE0000, v3  }
0x2a: {  	vm9 =	veq.s32 v2, $0x9;
	[sflag:s28] =	ssyncset.done $0x0;
	v3 =	vsel vm8, $0x43130000, v3  }
0x2b: {  	vm10 =	veq.s32 v2, $0xA;
	[smem:$0x7F2] =	sst s4;
	[sflag:s28] =	ssyncadd.s32 $0xFFFFE000;
	v3 =	vsel vm9, $0x43420000, v3  }
0x2c: {  	vm11 =	veq.s32 v2, $0xB;
	[bflag:$0x0] =	sbarrier.arrive $0xFFFF;
	v3 =	vsel vm10, $0x437F0000, v3  }
0x2d: {  	s30 =	sshll.u32 s4, $0x8;
	s0 =	sshll.u32 s0, $0x13;
	vm12 =	veq.s32 v2, $0xC;
	s31 =	sld [smem:$0x7FB];
	v3 =	vsel vm11, $0x43A88000, v3  }
0x2e: {  	s0 =	sand.u32 $0x600000, s0;
	vm13 =	veq.s32 v2, $0xD;
	s1 =	sand.u32 $0x300, s30;
	v3 =	vsel vm12, $0x43DE8000, v3  }
0x2f: {  	vm14 =	veq.s32 v2, $0xE;
	s0 =	sor.u32 s1, s0;
	v3 =	vsel vm13, $0x44130000, v3  }
0x30: {  	vm15 =	veq.s32 v2, $0xF;
	s0 =	sadd.s32 s0, s31;
	v3 =	vsel vm14, $0x44420000, v3  }
0x31: {  	[smem:$0x7F3] =	sst s0;
	v2 =	vsel vm15, $0x447FC000, v3  }
.LBB2_3:
0x32: {  	p0 =	seq.s32 s29, $0x20  }
.Ltmp4:
0x33: {  	_ = 	snop;
	(pc) =	sbr.rel @!p0 .LBB2_5-.Ltmp4, $1  }
0x34: {  	_ =	sdelay $0x3  }
.Ltmp5:
0x35: {  	(pc) =	sbr.rel .LBB2_15-.Ltmp5, $3  }
0x36: {  	_ =	sdelay $0x1  }
0x37: {  	s23 =	simm.s32 $0x21  }
0x38: {  	s10 =	simm.s32 $0xE00;
	s1 =	simm.s32 $0x1;
	s0 =	simm.s32 $0x2  }
.LBB2_5:
0x39: {  	s0 =	smul.u32 $0xAB, s29;
	_ =	sdelay $0x1  }
0x3a: {  	s0 =	sshrl.u32 s0, $0x9  }
0x3b: {  	s0 =	sand.u32 $0x7F, s0  }
0x3c: {  	s0 =	smul.u32 $0x3, s0;
	_ =	sdelay $0x1  }
0x3d: {  	s0 =	ssub.s32 s29, s0  }
0x3e: {  	[smem:$0x7F1] =	sst s29;
	s2 =	sand.u32 $0x1, s29;
	s1 =	sand.u32 $0xFF, s0  }
0x3f: {  	s16 =	simm.s32 $0x0;
	s9 =	sshll.u32 s2, $0xD;
	p0 =	seq.s32 s1, $0x0  }
0x40: {  	[smem:$0x7EE] =	sst s2;
	s2 =	smul.u32 $0x1800, s2;
	p1 =	seq.s32 @!p0 s1, $0x2  }
0x41: {  	s19 =	simm.s32 $0x0;
	s1 =	smul.u32 $0x1800, s1;
	p1 =	por !p1, p0  }
0x42: {  	s18 =	sadd.s32 $0x11400, s9;
	s20 =	sadd.s32 $0x11600, s9;
	s0 =	simm.s32 @!p1 $0x5  }
0x43: {  	s2 =	sshrl.u32 s2, $0x2;
	s1 =	sshrl.u32 s1, $0x2;
	s0 =	simm.s32 @p1 $0x4  }
0x44: {  	s15 =	sadd.s32 $0x1B200, s2;
	s1 =	sadd.s32 $0x10000, s1;
	s0 =	simm.s32 @p0 $0x3  }
0x45: {  	_ =	swait.ge [sflag:s0], $0x600;
	[dreg:$0x5] =	wrdreg s1;
	s1 =	smul.u32 $0x600, s16  }
0x46: {  	s3 =	sadd.s32 $0x1B400, s2;
	s2 =	sadd.s32 $0x1B600, s2;
	[dreg:$0x6] =	wrdreg s15  }
0x47: {  	s4 =	rddreg [dreg:$0x5];
	[sflag:s0] =	ssyncset.done $0x0;
	s17 =	sshra.s32 s1, $0x2  }
0x48: {  	[dreg:$0x7] =	wrdreg s3;
	[sflag:s0] =	ssyncadd.s32 $0xFFFFFA00;
	s0 =	sadd.s32 s17, s4  }
0x49: {  	[dreg:$0x8] =	wrdreg s2;
	s4 =	sand.u32 $0x60, s19;
	s2 =	sadd.s32 $0x80, s0  }
0x4a: {  	[dreg:$0x9] =	wrdreg s18;
	s8 =	sadd.s32 $0x100, s0;
	s5 =	sadd.s32 s4, s2  }
0x4b: {  	s21 =	sadd.s32 $0x11800, s9;
	[dreg:$0xa] =	wrdreg s20;
	s6 =	sadd.s32 s4, s8;
	v3 =	vld [tilespmem:s5+$0x0]  }
0x4c: {  	s22 =	sadd.s32 $0x11A00, s9;
	[dreg:$0xb] =	wrdreg s21;
	s23 =	sadd.s32 s4, s0;
	v4 =	vld [tilespmem:s6+$0x0]  }
0x4d: {  	s24 =	sadd.s32 $0x11C00, s9;
	[dreg:$0xc] =	wrdreg s22;
	v5 =	vld [tilespmem:s23+$0x0]  }
0x4e: {  	s25 =	sadd.s32 $0x11E00, s9;
	[dreg:$0xd] =	wrdreg s24  }
0x4f: {  	s26 =	sadd.s32 $0x12000, s9;
	[dreg:$0xe] =	wrdreg s25  }
0x50: {  	s31 =	sadd.s32 $0x12200, s9;
	[dreg:$0xf] =	wrdreg s26;
	v3 =	vmul.f32 v3, v2  }
0x51: {  	s7 =	sadd.s32 $0x12800, s9;
	[dreg:$0x10] =	wrdreg s31;
	v4 =	vmul.f32 v4, v2  }
0x52: {  	s10 =	sadd.s32 $0x12A00, s9;
	[dreg:$0x13] =	wrdreg s7;
	v5 =	vmul.f32 v5, v2;
	v6 =	vtrunc.f32 v3  }
0x53: {  	s11 =	sadd.s32 $0x12C00, s9;
	[dreg:$0x14] =	wrdreg s10;
	v7 =	vtrunc.f32 v4;
	v6 =	vcvt.f32.s32 v6  }
0x54: {  	s12 =	sadd.s32 $0x12E00, s9;
	[dreg:$0x15] =	wrdreg s11;
	v8 =	vtrunc.f32 v5;
	v7 =	vcvt.f32.s32 v7  }
0x55: {  	[dreg:$0x16] =	wrdreg s12;
	v8 =	vcvt.f32.s32 v8;
	v9 =	vcvt.s32.f32 v6  }
0x56: {  	s13 =	rddreg [dreg:$0x6];
	v10 =	vcvt.s32.f32 v7  }
0x57: {  	s15 =	rddreg [dreg:$0x7];
	v11 =	vcvt.s32.f32 v8;
	vm0 =	vne.f32 v3, v9  }
0x58: {  	s7 =	rddreg [dreg:$0x8];
	v12 =	vmul.u32 $0x9E3779B1, v6;
	vm12 =	vne.f32 v4, v10;
	v13 =	vsel vm0, $0x1, v1  }
0x59: {  	s16 =	sadd.s32 $0x13000, s9;
	s11 =	sand.u32 $0x180, s19;
	[smem:$0x7EF] =	sst s9;
	vm1 =	vne.f32 v5, v11;
	v38 =	vsel vm12, $0x1, v1;
	v6 =	vadd.s32 v6, v13  }
0x5a: {  	s14 =	sadd.s32 $0x11200, s9;
	[dreg:$0x17] =	wrdreg s16;
	s3 =	sadd.s32 s11, s13;
	v14 =	vsel vm1, $0x1, v1;
	v13 =	vadd.s32 v7, v38;
	v6 =	vmul.u32 $0x9E3779B1, v6  }
0x5b: {  	s10 =	rddreg [dreg:$0xa];
	s1 =	sadd.s32 s4, s3;
	s5 =	sadd.s32 $0x12400, s9;
	v5 =	vsub.f32 v5, v11;
	v14 =	vadd.s32 v8, v14;
	v39 =	vmul.u32 $0x30025795, v13  }
0x5c: {  	s6 =	sadd.s32 $0x12600, s9;
	[dreg:$0x11] =	wrdreg s5;
	s5 =	sadd.s32 s11, s15;
	v3 =	vsub.f32 v3, v9;
	v40 =	vxor.u32 v14, v6  }
0x5d: {  	[dreg:$0x12] =	wrdreg s6;
	s6 =	sadd.s32 s11, s7;
	s12 =	sadd.s32 s4, s5;
	v4 =	vsub.f32 v4, v10;
	[tilespmem:s1+$0x0] =	vst v5;
	v41 =	vxor.u32 v12, v14;
	v5 =	vxor.u32 v39, v40  }
0x5e: {  	s17 =	rddreg [dreg:$0x9];
	s18 =	sadd.s32 s4, s6;
	s1 =	sadd.s32 s11, s14;
	v12 =	vxor.u32 v8, v12;
	[tilespmem:s12+$0x0] =	vst v3;
	v3 =	vand.u32 $0x7FFFF, v5;
	v5 =	vand.u32 $0x7FF80, v5  }
0x5f: {  	[smem:$0x7F0] =	sst s14;
	s7 =	sadd.s32 s11, s17;
	s15 =	sadd.s32 s4, s1;
	[tilespmem:s18+$0x0] =	vst v4;
	v13 =	vxor.u32 v41, v39;
	v42 =	vxor.u32 v12, v39;
	v3 =	vadd.s32 v5, v3  }
0x60: {  	s13 =	rddreg [dreg:$0xb];
	s9 =	sadd.s32 s11, s10;
	s16 =	sadd.s32 s4, s7;
	v4 =	vand.u32 $0x7FFFF, v13;
	v5 =	vand.u32 $0x7FF80, v13;
	[tilespmem:s15+$0x0] =	vst v3;
	v3 =	vadd.s32 $0x80, v3  }
0x61: {  	s19 =	rddreg [dreg:$0xc];
	s10 =	sadd.s32 s11, s13;
	s21 =	sadd.s32 s4, s9;
	v43 =	vand.u32 $0x7FFFF, v42;
	v4 =	vadd.s32 v5, v4;
	[tilespmem:s16+$0x0] =	vst v3  }
0x62: {  	s20 =	rddreg [dreg:$0xd];
	s23 =	sadd.s32 s4, s10;
	s14 =	sadd.s32 s11, s19;
	v5 =	vxor.u32 v8, v6;
	v3 =	vand.u32 $0x7FF80, v42;
	[tilespmem:s21+$0x0] =	vst v4;
	v4 =	vadd.s32 $0x80, v4  }
0x63: {  	s22 =	rddreg [dreg:$0xe];
	s17 =	sadd.s32 s4, s14;
	v6 =	vmul.u32 $0x30025795, v7;
	s15 =	sadd.s32 s11, s20;
	v7 =	vxor.u32 v39, v5;
	v3 =	vadd.s32 v3, v43;
	[tilespmem:s23+$0x0] =	vst v4  }
0x64: {  	s24 =	rddreg [dreg:$0xf];
	s18 =	sadd.s32 s4, s15;
	v4 =	vand.u32 $0x7FFFF, v7;
	v7 =	vand.u32 $0x7FF80, v7;
	[tilespmem:s17+$0x0] =	vst v3;
	v3 =	vadd.s32 $0x80, v3;
	s17 =	sadd.s32 s11, s22  }
0x65: {  	s25 =	rddreg [dreg:$0x10];
	v44 =	vxor.u32 v6, v40;
	v4 =	vadd.s32 v7, v4;
	[tilespmem:s18+$0x0] =	vst v3;
	s13 =	sadd.s32 s4, s17;
	s18 =	sadd.s32 s11, s24  }
0x66: {  	s19 =	rddreg [dreg:$0x11];
	s21 =	sadd.s32 s11, s25;
	v7 =	vand.u32 $0x7FF80, v44;
	v3 =	vand.u32 $0x7FFFF, v44;
	[tilespmem:s13+$0x0] =	vst v4;
	v4 =	vadd.s32 $0x80, v4;
	s20 =	sadd.s32 s4, s18  }
0x67: {  	s26 =	rddreg [dreg:$0x12];
	s12 =	sadd.s32 s4, s21;
	s13 =	sadd.s32 s11, s19;
	v3 =	vadd.s32 v7, v3;
	v7 =	vxor.u32 v6, v41;
	[tilespmem:s20+$0x0] =	vst v4  }
0x68: {  	s22 =	rddreg [dreg:$0x13];
	s24 =	sadd.s32 s4, s13;
	v4 =	vand.u32 $0x7FFFF, v7;
	v7 =	vand.u32 $0x7FF80, v7;
	s20 =	sadd.s32 s11, s26;
	[tilespmem:s12+$0x0] =	vst v3;
	v3 =	vadd.s32 $0x80, v3  }
0x69: {  	s31 =	rddreg [dreg:$0x14];
	v45 =	vxor.u32 v6, v12;
	s12 =	sadd.s32 s11, s22;
	v4 =	vadd.s32 v7, v4;
	s16 =	sadd.s32 s4, s20;
	[tilespmem:s24+$0x0] =	vst v3  }
0x6a: {  	s23 =	rddreg [dreg:$0x15];
	v7 =	vand.u32 $0x7FF80, v45;
	s26 =	sadd.s32 s4, s12;
	v3 =	vand.u32 $0x7FFFF, v45;
	[tilespmem:s16+$0x0] =	vst v4;
	v4 =	vadd.s32 $0x80, v4;
	s16 =	sadd.s32 s11, s31  }
0x6b: {  	s25 =	rddreg [dreg:$0x16];
	v5 =	vxor.u32 v6, v5;
	s22 =	sadd.s32 s11, s23;
	v3 =	vadd.s32 v7, v3;
	[tilespmem:s26+$0x0] =	vst v4;
	s19 =	sadd.s32 s4, s16  }
0x6c: {  	s28 =	rddreg [dreg:$0x17];
	s23 =	sadd.s32 s4, s22;
	v4 =	vand.u32 $0x7FFFF, v5;
	v5 =	vand.u32 $0x7FF80, v5;
	[tilespmem:s19+$0x0] =	vst v3;
	v3 =	vadd.s32 $0x80, v3;
	s19 =	sadd.s32 s11, s25  }
0x6d: {  	s11 =	sadd.s32 s11, s28;
	[tilespmem:s23+$0x0] =	vst v3;
	v3 =	vadd.s32 v5, v4;
	s26 =	sadd.s32 s4, s19  }
0x6e: {  	s28 =	sor.u32 $0x10, s4;
	s4 =	sadd.s32 s4, s11;
	[tilespmem:s26+$0x0] =	vst v3;
	v3 =	vadd.s32 $0x80, v3  }
0x6f: {  	s2 =	sadd.s32 s28, s2;
	[tilespmem:s4+$0x0] =	vst v3  }
0x70: {  	s31 =	sadd.s32 s28, s8;
	v3 =	vld [tilespmem:s2+$0x0]  }
0x71: {  	s0 =	sadd.s32 s28, s0;
	v4 =	vld [tilespmem:s31+$0x0]  }
0x72: {  	v5 =	vld [tilespmem:s0+$0x0];
	_ =	sdelay $0x3  }
0x73: {  	v3 =	vmul.f32 v3, v2  }
0x74: {  	v4 =	vmul.f32 v4, v2;
	v5 =	vmul.f32 v5, v2  }
0x75: {  	v6 =	vtrunc.f32 v3  }
0x76: {  	v7 =	vtrunc.f32 v4;
	v46 =	vtrunc.f32 v5  }
0x77: {  	v6 =	vcvt.f32.s32 v6;
	v7 =	vcvt.f32.s32 v7  }
0x78: {  	v8 =	vcvt.f32.s32 v46  }
0x79: {  	v47 =	vcvt.s32.f32 v6;
	v48 =	vcvt.s32.f32 v7  }
0x7a: {  	v49 =	vcvt.s32.f32 v8  }
0x7b: {  	vm13 =	vne.f32 v3, v47;
	vm14 =	vne.f32 v4, v48  }
0x7c: {  	vm15 =	vne.f32 v5, v49;
	v5 =	vsub.f32 v5, v49;
	v50 =	vsel vm13, $0x1, v1  }
0x7d: {  	v3 =	vsub.f32 v3, v47;
	v51 =	vsel vm14, $0x1, v1;
	v12 =	vadd.s32 v6, v50  }
0x7e: {  	v52 =	vsel vm15, $0x1, v1;
	v13 =	vadd.s32 v7, v51;
	v12 =	vmul.u32 $0x9E3779B1, v12  }
0x7f: {  	s3 =	sadd.s32 s28, s3;
	v53 =	vadd.s32 v8, v52;
	v6 =	vmul.u32 $0x9E3779B1, v6;
	v13 =	vmul.u32 $0x30025795, v13  }
0x80: {  	s4 =	sadd.s32 s28, s5;
	v4 =	vsub.f32 v4, v48;
	[tilespmem:s3+$0x0] =	vst v5;
	v54 =	vxor.u32 v53, v12  }
0x81: {  	s5 =	sadd.s32 s28, s6;
	v5 =	vmul.u32 $0x30025795, v7;
	[tilespmem:s4+$0x0] =	vst v3;
	v3 =	vxor.u32 v6, v53;
	v7 =	vxor.u32 v13, v54  }
0x82: {  	[tilespmem:s5+$0x0] =	vst v4;
	v4 =	vxor.u32 v8, v6;
	v55 =	vand.u32 $0x7FFFF, v7;
	v7 =	vand.u32 $0x7FF80, v7  }
0x83: {  	s6 =	sadd.s32 s28, s1;
	v6 =	vxor.u32 v3, v13;
	v57 =	vxor.u32 v4, v13;
	v7 =	vadd.s32 v7, v55  }
0x84: {  	s7 =	sadd.s32 s28, s7;
	v56 =	vand.u32 $0x7FFFF, v6;
	v6 =	vand.u32 $0x7FF80, v6;
	[tilespmem:s6+$0x0] =	vst v7;
	v7 =	vadd.s32 $0x80, v7  }
0x85: {  	s8 =	sadd.s32 s28, s9;
	v58 =	vand.u32 $0x7FFFF, v57;
	v6 =	vadd.s32 v6, v56;
	[tilespmem:s7+$0x0] =	vst v7  }
0x86: {  	s9 =	sadd.s32 s28, s10;
	v7 =	vxor.u32 v8, v12;
	v8 =	vand.u32 $0x7FF80, v57;
	[tilespmem:s8+$0x0] =	vst v6;
	v6 =	vadd.s32 $0x80, v6  }
0x87: {  	s10 =	sadd.s32 s28, s14;
	v4 =	vxor.u32 v5, v4;
	v59 =	vxor.u32 v13, v7;
	v8 =	vadd.s32 v8, v58;
	[tilespmem:s9+$0x0] =	vst v6  }
0x88: {  	s14 =	sadd.s32 s28, s15;
	v60 =	vand.u32 $0x7FFFF, v59;
	v9 =	vand.u32 $0x7FF80, v59;
	[tilespmem:s10+$0x0] =	vst v8;
	v8 =	vadd.s32 $0x80, v8  }
0x89: {  	s15 =	sadd.s32 s28, s17;
	v3 =	vxor.u32 v5, v3;
	v6 =	vxor.u32 v5, v54;
	v9 =	vadd.s32 v9, v60;
	[tilespmem:s14+$0x0] =	vst v8  }
0x8a: {  	s17 =	sadd.s32 s28, s18;
	s18 =	simm.s32 $0x0;
	v61 =	vand.u32 $0x7FFFF, v6;
	v6 =	vand.u32 $0x7FF80, v6;
	[tilespmem:s15+$0x0] =	vst v9;
	v9 =	vadd.s32 $0x80, v9  }
0x8b: {  	s21 =	sadd.s32 s28, s21;
	s1 =	smul.u32 $0x600, s18;
	v62 =	vand.u32 $0x7FF80, v4;
	v63 =	vand.u32 $0x7FFFF, v3;
	v6 =	vadd.s32 v6, v61;
	[tilespmem:s17+$0x0] =	vst v9  }
0x8c: {  	s30 =	simm.s32 $0x40;
	s23 =	rddreg [dreg:$0x5];
	s24 =	sadd.s32 s28, s13;
	v3 =	vand.u32 $0x7FF80, v3;
	v4 =	vand.u32 $0x7FFFF, v4;
	[tilespmem:s21+$0x0] =	vst v6;
	v6 =	vadd.s32 $0x80, v6  }
0x8d: {  	s25 =	sadd.s32 s28, s20;
	s31 =	sadd.s32 s28, s12;
	s1 =	sshra.s32 s1, $0x2;
	[tilespmem:s24+$0x0] =	vst v6;
	v6 =	vadd.s32 v3, v63;
	v3 =	vadd.s32 v62, v4;
	v4 =	vxor.u32 v5, v7  }
0x8e: {  	s2 =	sadd.s32 s28, s22;
	s29 =	sadd.s32 s1, s23;
	s4 =	simm.s32 $0x20;
	[tilespmem:s25+$0x0] =	vst v6;
	v5 =	vand.u32 $0x7FFFF, v4;
	v7 =	vand.u32 $0x7FF80, v4;
	v6 =	vadd.s32 $0x80, v6  }
0x8f: {  	s1 =	simm.s32 $0x2;
	s3 =	sadd.s32 s28, s16;
	s26 =	sand.u32 $0x60, s4;
	v4 =	vadd.s32 $0x80, v3;
	v5 =	vadd.s32 v7, v5;
	[tilespmem:s31+$0x0] =	vst v6  }
.LBB2_6:
0x90: {  	[tilespmem:s3+$0x0] =	vst v3  }
0x91: {  	s15 =	sadd.s32 s28, s19;
	[tilespmem:s2+$0x0] =	vst v4  }
0x92: {  	s8 =	sadd.s32 $0x80, s29;
	v3 =	vadd.s32 $0x80, v5;
	s17 =	sadd.s32 s28, s11;
	[tilespmem:s15+$0x0] =	vst v5  }
0x93: {  	s10 =	sadd.s32 $0x100, s29;
	s14 =	sadd.s32 s26, s8;
	[tilespmem:s17+$0x0] =	vst v3  }
0x94: {  	s16 =	sadd.s32 s26, s10;
	v3 =	vld [tilespmem:s14+$0x0]  }
0x95: {  	s5 =	sadd.s32 s26, s29;
	v4 =	vld [tilespmem:s16+$0x0]  }
0x96: {  	v5 =	vld [tilespmem:s5+$0x0];
	_ =	sdelay $0x2  }
0x97: {  	v3 =	vmul.f32 v3, v2  }
0x98: {  	v4 =	vmul.f32 v4, v2  }
0x99: {  	s6 =	rddreg [dreg:$0xd];
	v5 =	vmul.f32 v5, v2;
	v6 =	vtrunc.f32 v3  }
0x9a: {  	s18 =	rddreg [dreg:$0x15];
	v7 =	vtrunc.f32 v4;
	v6 =	vcvt.f32.s32 v6  }
0x9b: {  	s19 =	rddreg [dreg:$0x6];
	v8 =	vtrunc.f32 v5;
	v7 =	vcvt.f32.s32 v7  }
0x9c: {  	s7 =	rddreg [dreg:$0x7];
	v8 =	vcvt.f32.s32 v8;
	v9 =	vcvt.s32.f32 v6  }
0x9d: {  	s20 =	rddreg [dreg:$0x8];
	v10 =	vcvt.s32.f32 v7  }
0x9e: {  	s22 =	sld [smem:$0x7F0];
	v11 =	vmul.u32 $0x9E3779B1, v6;
	v13 =	vcvt.s32.f32 v8;
	vm0 =	vne.f32 v3, v9  }
0x9f: {  	s11 =	sand.u32 $0x180, s4;
	s4 =	rddreg [dreg:$0xe];
	s0 =	smov.u32 s1;
	v12 =	vmul.u32 $0x30025795, v7;
	vm12 =	vne.f32 v4, v10;
	v37 =	vsel vm0, $0x1, v1  }
0xa0: {  	s13 =	sadd.s32 $0x1, s1;
	p0 =	sne.s32 s1, $0xF;
	s1 =	rddreg [dreg:$0xc];
	vm1 =	vne.f32 v5, v13;
	v38 =	vsel vm12, $0x1, v1;
	v6 =	vadd.s32 v6, v37  }
0xa1: {  	s28 =	sor.u32 $0x10, s26;
	s21 =	sadd.s32 s11, s18;
	s15 =	rddreg [dreg:$0xa];
	v39 =	vsel vm1, $0x1, v1;
	v7 =	vadd.s32 v7, v38;
	v6 =	vmul.u32 $0x9E3779B1, v6  }
0xa2: {  	s7 =	sadd.s32 s11, s7;
	[smem:$0x7EC] =	sst s0;
	s5 =	sadd.s32 s11, s19;
	v5 =	vsub.f32 v5, v13;
	v40 =	vadd.s32 v8, v39;
	v7 =	vmul.u32 $0x30025795, v7  }
0xa3: {  	s3 =	sadd.s32 s11, s20;
	[smem:$0x7ED] =	sst s13;
	s23 =	sadd.s32 s26, s5;
	v3 =	vsub.f32 v3, v9;
	v4 =	vsub.f32 v4, v10;
	v10 =	vxor.u32 v40, v6  }
0xa4: {  	s18 =	sadd.s32 s26, s7;
	s2 =	sadd.s32 s28, s21;
	s13 =	rddreg [dreg:$0xb];
	[tilespmem:s23+$0x0] =	vst v5;
	v5 =	vxor.u32 v7, v10  }
0xa5: {  	s12 =	sadd.s32 s11, s22;
	s0 =	sadd.s32 s26, s3;
	s14 =	rddreg [dreg:$0x9];
	v9 =	vxor.u32 v11, v40;
	[tilespmem:s18+$0x0] =	vst v3;
	v3 =	vand.u32 $0x7FFFF, v5;
	v5 =	vand.u32 $0x7FF80, v5  }
0xa6: {  	s17 =	rddreg [dreg:$0x11];
	s24 =	sadd.s32 s26, s12;
	s14 =	sadd.s32 s11, s14;
	v11 =	vxor.u32 v8, v11;
	[tilespmem:s0+$0x0] =	vst v4;
	v41 =	vxor.u32 v9, v7;
	v3 =	vadd.s32 v5, v3  }
0xa7: {  	s15 =	sadd.s32 s11, s15;
	s1 =	sadd.s32 s11, s1;
	s25 =	sadd.s32 s26, s14;
	v15 =	vand.u32 $0x7FFFF, v41;
	v4 =	vand.u32 $0x7FF80, v41;
	[tilespmem:s24+$0x0] =	vst v3;
	v3 =	vadd.s32 $0x80, v3  }
0xa8: {  	s22 =	rddreg [dreg:$0xf];
	s31 =	sadd.s32 s26, s15;
	s13 =	sadd.s32 s11, s13;
	v14 =	vxor.u32 v11, v7;
	v6 =	vxor.u32 v8, v6;
	v4 =	vadd.s32 v4, v15;
	[tilespmem:s25+$0x0] =	vst v3  }
0xa9: {  	s16 =	rddreg [dreg:$0x13];
	s18 =	sadd.s32 s11, s17;
	v42 =	vand.u32 $0x7FF80, v14;
	v5 =	vand.u32 $0x7FFFF, v14;
	s24 =	sadd.s32 s26, s13;
	[tilespmem:s31+$0x0] =	vst v4;
	v4 =	vadd.s32 $0x80, v4  }
0xaa: {  	s17 =	sadd.s32 s11, s16;
	s16 =	sadd.s32 s11, s6;
	v3 =	vadd.s32 v42, v5;
	v5 =	vxor.u32 v7, v6;
	s25 =	sadd.s32 s26, s1;
	[tilespmem:s24+$0x0] =	vst v4  }
0xab: {  	s23 =	sadd.s32 s26, s21;
	s6 =	sadd.s32 s11, s4;
	v4 =	vand.u32 $0x7FFFF, v5;
	v5 =	vand.u32 $0x7FF80, v5;
	[tilespmem:s25+$0x0] =	vst v3;
	v3 =	vadd.s32 $0x80, v3;
	s25 =	sadd.s32 s26, s16  }
0xac: {  	s21 =	sadd.s32 s11, s22;
	v43 =	vxor.u32 v12, v10;
	s31 =	sadd.s32 s26, s6;
	s24 =	rddreg [dreg:$0x10];
	v4 =	vadd.s32 v5, v4;
	[tilespmem:s25+$0x0] =	vst v3  }
0xad: {  	v8 =	vand.u32 $0x7FF80, v43;
	v7 =	vand.u32 $0x7FFFF, v43;
	s22 =	sadd.s32 s11, s24;
	v3 =	vadd.s32 $0x80, v4;
	[tilespmem:s31+$0x0] =	vst v4;
	s31 =	sadd.s32 s26, s21  }
0xae: {  	s0 =	rddreg [dreg:$0x12];
	v5 =	vadd.s32 v8, v7;
	v7 =	vxor.u32 v12, v9;
	s24 =	sadd.s32 s26, s22;
	[tilespmem:s31+$0x0] =	vst v3  }
0xaf: {  	s20 =	sadd.s32 s26, s18;
	v4 =	vand.u32 $0x7FFFF, v7;
	v7 =	vand.u32 $0x7FF80, v7;
	[tilespmem:s24+$0x0] =	vst v5;
	v5 =	vadd.s32 $0x80, v5;
	s24 =	sadd.s32 s11, s0  }
0xb0: {  	v44 =	vxor.u32 v12, v11;
	s25 =	rddreg [dreg:$0x14];
	v3 =	vadd.s32 v7, v4;
	[tilespmem:s20+$0x0] =	vst v5;
	s0 =	sadd.s32 s26, s24  }
0xb1: {  	s19 =	sadd.s32 s26, s17;
	v4 =	vand.u32 $0x7FFFF, v44;
	v7 =	vand.u32 $0x7FF80, v44;
	s20 =	sadd.s32 s11, s25;
	[tilespmem:s0+$0x0] =	vst v3;
	v3 =	vadd.s32 $0x80, v3  }
0xb2: {  	v6 =	vxor.u32 v12, v6;
	s31 =	rddreg [dreg:$0x16];
	v4 =	vadd.s32 v7, v4;
	s25 =	sadd.s32 s26, s20;
	[tilespmem:s19+$0x0] =	vst v3  }
0xb3: {  	v5 =	vand.u32 $0x7FF80, v6;
	s0 =	rddreg [dreg:$0x17];
	v3 =	vadd.s32 $0x80, v4;
	s19 =	sadd.s32 s11, s31;
	[tilespmem:s25+$0x0] =	vst v4;
	v4 =	vand.u32 $0x7FFFF, v6  }
0xb4: {  	s11 =	sadd.s32 s11, s0;
	s31 =	sadd.s32 s26, s19;
	[tilespmem:s23+$0x0] =	vst v3;
	v3 =	vadd.s32 v5, v4  }
0xb5: {  	s0 =	sadd.s32 s26, s11;
	[tilespmem:s31+$0x0] =	vst v3;
	v3 =	vadd.s32 $0x80, v3  }
0xb6: {  	s9 =	sand.u32 $0x60, s30;
	s8 =	sadd.s32 s28, s8;
	[tilespmem:s0+$0x0] =	vst v3  }
0xb7: {  	s26 =	smov.u32 s9;
	s9 =	sadd.s32 s28, s29;
	v3 =	vld [tilespmem:s8+$0x0]  }
0xb8: {  	s23 =	sadd.s32 s28, s10;
	v4 =	vld [tilespmem:s9+$0x0]  }
0xb9: {  	v5 =	vld [tilespmem:s23+$0x0];
	_ =	sdelay $0x3  }
0xba: {  	v3 =	vmul.f32 v3, v2  }
0xbb: {  	v4 =	vmul.f32 v4, v2;
	v5 =	vmul.f32 v5, v2  }
0xbc: {  	v6 =	vtrunc.f32 v3  }
0xbd: {  	v7 =	vtrunc.f32 v4;
	v45 =	vtrunc.f32 v5  }
0xbe: {  	v6 =	vcvt.f32.s32 v6;
	v7 =	vcvt.f32.s32 v7  }
0xbf: {  	v8 =	vcvt.f32.s32 v45  }
0xc0: {  	v46 =	vcvt.s32.f32 v6;
	v47 =	vcvt.s32.f32 v7  }
0xc1: {  	v48 =	vmul.u32 $0x9E3779B1, v6;
	v49 =	vcvt.s32.f32 v8  }
0xc2: {  	v51 =	vmul.u32 $0x30025795, v8;
	vm13 =	vne.f32 v3, v46;
	vm14 =	vne.f32 v4, v47  }
0xc3: {  	v4 =	vsub.f32 v4, v47;
	vm15 =	vne.f32 v5, v49;
	v50 =	vsel vm13, $0x1, v1  }
0xc4: {  	s25 =	sadd.s32 s28, s5;
	v3 =	vsub.f32 v3, v46;
	v53 =	vsel vm15, $0x1, v1;
	v6 =	vadd.s32 v6, v50  }
0xc5: {  	s31 =	sadd.s32 s28, s7;
	v52 =	vsel vm14, $0x1, v1;
	[tilespmem:s25+$0x0] =	vst v4;
	v8 =	vadd.s32 v8, v53;
	v4 =	vmul.u32 $0x9E3779B1, v6  }
0xc6: {  	v5 =	vsub.f32 v5, v49;
	v6 =	vadd.s32 v7, v52;
	[tilespmem:s31+$0x0] =	vst v3;
	v3 =	vmul.u32 $0x30025795, v8  }
0xc7: {  	s5 =	sadd.s32 s28, s3;
	v54 =	vxor.u32 v6, v4  }
0xc8: {  	[tilespmem:s5+$0x0] =	vst v5;
	v5 =	vxor.u32 v48, v6;
	v8 =	vxor.u32 v3, v54  }
0xc9: {  	v4 =	vxor.u32 v7, v4;
	v56 =	vand.u32 $0x7FFFF, v8;
	v8 =	vand.u32 $0x7FF80, v8  }
0xca: {  	s7 =	sadd.s32 s28, s12;
	v6 =	vxor.u32 v7, v48;
	v55 =	vxor.u32 v5, v3;
	v8 =	vadd.s32 v8, v56  }
0xcb: {  	s8 =	sadd.s32 s28, s14;
	v57 =	vand.u32 $0x7FFFF, v55;
	v9 =	vand.u32 $0x7FF80, v55;
	[tilespmem:s7+$0x0] =	vst v8;
	v8 =	vadd.s32 $0x80, v8  }
0xcc: {  	s9 =	sadd.s32 s28, s15;
	v7 =	vxor.u32 v51, v54;
	v11 =	vxor.u32 v6, v3;
	v9 =	vadd.s32 v9, v57;
	[tilespmem:s8+$0x0] =	vst v8  }
0xcd: {  	s10 =	sadd.s32 s28, s13;
	v58 =	vand.u32 $0x7FFFF, v11;
	v11 =	vand.u32 $0x7FF80, v11;
	[tilespmem:s9+$0x0] =	vst v9;
	v9 =	vadd.s32 $0x80, v9  }
0xce: {  	s12 =	sadd.s32 s28, s1;
	v3 =	vxor.u32 v3, v4;
	v6 =	vxor.u32 v51, v6;
	v59 =	vadd.s32 v11, v58;
	[tilespmem:s10+$0x0] =	vst v9  }
0xcf: {  	s13 =	sadd.s32 s28, s16;
	s16 =	sld [smem:$0x7EC];
	v61 =	vand.u32 $0x7FFFF, v3;
	v3 =	vand.u32 $0x7FF80, v3;
	v8 =	vadd.s32 $0x80, v59;
	[tilespmem:s12+$0x0] =	vst v59  }
0xd0: {  	s14 =	sadd.s32 s28, s6;
	v60 =	vand.u32 $0x7FFFF, v7;
	v7 =	vand.u32 $0x7FF80, v7;
	v3 =	vadd.s32 v3, v61;
	[tilespmem:s13+$0x0] =	vst v8  }
0xd1: {  	s15 =	sadd.s32 s28, s21;
	v62 =	vand.u32 $0x7FF80, v6;
	v6 =	vand.u32 $0x7FFFF, v6;
	v12 =	vadd.s32 $0x80, v3;
	[tilespmem:s14+$0x0] =	vst v3  }
.Ltmp6:
0xd2: {  	s1 =	sshrl.u32 s16, $0x2;
	s21 =	sadd.s32 s28, s22;
	v5 =	vxor.u32 v51, v5;
	v3 =	vadd.s32 v62, v6;
	v6 =	vadd.s32 v7, v60;
	[tilespmem:s15+$0x0] =	vst v12;
	(pc) =	sbr.rel @p0 .LBB2_6-.Ltmp6, $4  }
0xd3: {  	s23 =	sadd.s32 s28, s18;
	s1 =	smul.u32 $0x600, s1;
	v63 =	vand.u32 $0x7FFFF, v5;
	v5 =	vand.u32 $0x7FF80, v5;
	[tilespmem:s21+$0x0] =	vst v6;
	v6 =	vadd.s32 $0x80, v6  }
0xd4: {  	s4 =	smov.u32 s30;
	s30 =	sadd.s32 $0x20, s30;
	s25 =	sadd.s32 s28, s24;
	v8 =	vadd.s32 v5, v63;
	v5 =	vxor.u32 v51, v4;
	[tilespmem:s23+$0x0] =	vst v6  }
0xd5: {  	s22 =	rddreg [dreg:$0x5];
	s1 =	sshra.s32 s1, $0x2;
	s31 =	sadd.s32 s28, s17;
	v7 =	vand.u32 $0x7FFFF, v5;
	v5 =	vand.u32 $0x7FF80, v5;
	v6 =	vadd.s32 $0x80, v8;
	[tilespmem:s25+$0x0] =	vst v8  }
0xd6: {  	s3 =	sadd.s32 s28, s20;
	s29 =	sadd.s32 s1, s22;
	s1 =	sld [smem:$0x7ED];
	v4 =	vadd.s32 $0x80, v3;
	v5 =	vadd.s32 v5, v7;
	[tilespmem:s31+$0x0] =	vst v6  }
0xd7: {  	[tilespmem:s3+$0x0] =	vst v3  }
0xd8: {  	s0 =	sadd.s32 s28, s19;
	[tilespmem:s2+$0x0] =	vst v4  }
0xd9: {  	s1 =	sadd.s32 $0x80, s29;
	v3 =	vadd.s32 $0x80, v5;
	s14 =	sadd.s32 s28, s11;
	[tilespmem:s0+$0x0] =	vst v5  }
0xda: {  	s15 =	sadd.s32 s26, s1;
	s2 =	sadd.s32 $0x100, s29;
	[tilespmem:s14+$0x0] =	vst v3  }
0xdb: {  	s16 =	sadd.s32 s26, s2;
	v3 =	vld [tilespmem:s15+$0x0]  }
0xdc: {  	s17 =	sadd.s32 s26, s29;
	v4 =	vld [tilespmem:s16+$0x0]  }
0xdd: {  	v62 =	vld [tilespmem:s17+$0x0];
	_ =	sdelay $0x2  }
0xde: {  	v3 =	vmul.f32 v3, v2  }
0xdf: {  	v4 =	vmul.f32 v4, v2  }
0xe0: {  	v5 =	vmul.f32 v62, v2;
	v6 =	vtrunc.f32 v3  }
0xe1: {  	v7 =	vtrunc.f32 v4;
	v6 =	vcvt.f32.s32 v6  }
0xe2: {  	v8 =	vtrunc.f32 v5;
	v7 =	vcvt.f32.s32 v7  }
0xe3: {  	v8 =	vcvt.f32.s32 v8;
	v9 =	vcvt.s32.f32 v6  }
0xe4: {  	v10 =	vcvt.s32.f32 v7  }
0xe5: {  	v11 =	vcvt.s32.f32 v8;
	vm0 =	vne.f32 v3, v9  }
0xe6: {  	v12 =	vmul.u32 $0x9E3779B1, v6;
	vm12 =	vne.f32 v4, v10;
	v13 =	vsel vm0, $0x1, v1  }
0xe7: {  	s18 =	rddreg [dreg:$0x6];
	vm1 =	vne.f32 v5, v11;
	v63 =	vsel vm12, $0x1, v1;
	v6 =	vadd.s32 v6, v13  }
0xe8: {  	s19 =	rddreg [dreg:$0x7];
	s20 =	sand.u32 $0x180, s4;
	v14 =	vsel vm1, $0x1, v1;
	v13 =	vadd.s32 v7, v63;
	v6 =	vmul.u32 $0x9E3779B1, v6  }
0xe9: {  	s23 =	sld [smem:$0x7F0];
	s0 =	sadd.s32 s20, s18;
	v5 =	vsub.f32 v5, v11;
	v14 =	vadd.s32 v8, v14;
	v16 =	vmul.u32 $0x30025795, v13  }
0xea: {  	s5 =	rddreg [dreg:$0x8];
	s4 =	sadd.s32 s20, s19;
	s7 =	sadd.s32 s26, s0;
	v3 =	vsub.f32 v3, v9;
	v17 =	vxor.u32 v14, v6  }
0xeb: {  	s5 =	sadd.s32 s20, s5;
	s21 =	sadd.s32 s26, s4;
	v4 =	vsub.f32 v4, v10;
	[tilespmem:s7+$0x0] =	vst v5;
	v19 =	vxor.u32 v16, v17  }
0xec: {  	s6 =	rddreg [dreg:$0x9];
	s22 =	sadd.s32 s26, s5;
	s3 =	sadd.s32 s20, s23;
	v18 =	vxor.u32 v12, v14;
	[tilespmem:s21+$0x0] =	vst v3;
	v3 =	vand.u32 $0x7FFFF, v19;
	v5 =	vand.u32 $0x7FF80, v19  }
0xed: {  	s8 =	rddreg [dreg:$0xa];
	s6 =	sadd.s32 s20, s6;
	s24 =	sadd.s32 s26, s3;
	v12 =	vxor.u32 v8, v12;
	[tilespmem:s22+$0x0] =	vst v4;
	v13 =	vxor.u32 v18, v16;
	v3 =	vadd.s32 v5, v3  }
0xee: {  	s9 =	rddreg [dreg:$0xb];
	s13 =	sadd.s32 s26, s6;
	s7 =	sadd.s32 s20, s8;
	v21 =	vand.u32 $0x7FFFF, v13;
	v22 =	vand.u32 $0x7FF80, v13;
	[tilespmem:s24+$0x0] =	vst v3;
	v3 =	vadd.s32 $0x80, v3  }
0xef: {  	s10 =	rddreg [dreg:$0xc];
	s8 =	sadd.s32 s20, s9;
	s25 =	sadd.s32 s26, s7;
	v20 =	vxor.u32 v12, v16;
	v24 =	vxor.u32 v8, v6;
	v4 =	vadd.s32 v22, v21;
	[tilespmem:s13+$0x0] =	vst v3  }
0xf0: {  	s12 =	rddreg [dreg:$0xd];
	s9 =	sadd.s32 s20, s10;
	s30 =	sadd.s32 s26, s8;
	v23 =	vand.u32 $0x7FFFF, v20;
	v3 =	vand.u32 $0x7FF80, v20;
	[tilespmem:s25+$0x0] =	vst v4;
	v4 =	vadd.s32 $0x80, v4  }
0xf1: {  	s28 =	rddreg [dreg:$0xe];
	v25 =	vmul.u32 $0x30025795, v7;
	s10 =	sadd.s32 s20, s12;
	s31 =	sadd.s32 s26, s9;
	v26 =	vxor.u32 v16, v24;
	v3 =	vadd.s32 v3, v23;
	[tilespmem:s30+$0x0] =	vst v4  }
0xf2: {  	s14 =	rddreg [dreg:$0xf];
	s12 =	sadd.s32 s20, s28;
	s17 =	sadd.s32 s26, s10;
	v27 =	vand.u32 $0x7FFFF, v26;
	v7 =	vand.u32 $0x7FF80, v26;
	[tilespmem:s31+$0x0] =	vst v3;
	v3 =	vadd.s32 $0x80, v3  }
0xf3: {  	s15 =	rddreg [dreg:$0x10];
	s18 =	sadd.s32 s26, s12;
	v28 =	vxor.u32 v25, v17;
	s13 =	sadd.s32 s20, s14;
	v4 =	vadd.s32 v7, v27;
	[tilespmem:s17+$0x0] =	vst v3  }
0xf4: {  	s16 =	rddreg [dreg:$0x11];
	s15 =	sadd.s32 s20, s15;
	v29 =	vand.u32 $0x7FF80, v28;
	v3 =	vand.u32 $0x7FFFF, v28;
	[tilespmem:s18+$0x0] =	vst v4;
	v4 =	vadd.s32 $0x80, v4;
	s18 =	sadd.s32 s26, s13  }
0xf5: {  	s19 =	rddreg [dreg:$0x12];
	s11 =	sadd.s32 s20, s16;
	v30 =	vxor.u32 v25, v18;
	s22 =	sadd.s32 s26, s15;
	v3 =	vadd.s32 v29, v3;
	[tilespmem:s18+$0x0] =	vst v4  }
0xf6: {  	s16 =	sadd.s32 s20, s19;
	s21 =	sadd.s32 s26, s11;
	v31 =	vand.u32 $0x7FFFF, v30;
	v7 =	vand.u32 $0x7FF80, v30;
	s17 =	rddreg [dreg:$0x13];
	[tilespmem:s22+$0x0] =	vst v3;
	v3 =	vadd.s32 $0x80, v3  }
0xf7: {  	s28 =	sadd.s32 s26, s16;
	v32 =	vxor.u32 v25, v12;
	s24 =	rddreg [dreg:$0x14];
	s14 =	sadd.s32 s20, s17;
	v4 =	vadd.s32 v7, v31;
	[tilespmem:s21+$0x0] =	vst v3  }
0xf8: {  	v33 =	vand.u32 $0x7FF80, v32;
	s25 =	rddreg [dreg:$0x15];
	s17 =	sadd.s32 s20, s24;
	s31 =	sadd.s32 s26, s14;
	v3 =	vand.u32 $0x7FFFF, v32;
	[tilespmem:s28+$0x0] =	vst v4;
	v4 =	vadd.s32 $0x80, v4  }
0xf9: {  	v34 =	vxor.u32 v25, v24;
	s30 =	rddreg [dreg:$0x16];
	s18 =	sadd.s32 s20, s25;
	s24 =	sadd.s32 s26, s17;
	v3 =	vadd.s32 v33, v3;
	[tilespmem:s31+$0x0] =	vst v4  }
0xfa: {  	v5 =	vand.u32 $0x7FFFF, v34;
	s19 =	sadd.s32 s20, s30;
	s22 =	rddreg [dreg:$0x17];
	s25 =	sadd.s32 s26, s18;
	v4 =	vand.u32 $0x7FF80, v34;
	[tilespmem:s24+$0x0] =	vst v3;
	v3 =	vadd.s32 $0x80, v3  }
0xfb: {  	s20 =	sadd.s32 s20, s22;
	s28 =	sadd.s32 s26, s19;
	[tilespmem:s25+$0x0] =	vst v3;
	v3 =	vadd.s32 v4, v5  }
0xfc: {  	s21 =	sor.u32 $0x10, s26;
	s22 =	sadd.s32 s26, s20;
	[tilespmem:s28+$0x0] =	vst v3;
	v3 =	vadd.s32 $0x80, v3  }
0xfd: {  	s1 =	sadd.s32 s21, s1;
	[tilespmem:s22+$0x0] =	vst v3  }
0xfe: {  	s30 =	sadd.s32 s21, s2;
	v3 =	vld [tilespmem:s1+$0x0]  }
0xff: {  	s31 =	sadd.s32 s21, s29;
	v35 =	vld [tilespmem:s30+$0x0]  }
0x100: {  	v36 =	vld [tilespmem:s31+$0x0];
	_ =	sdelay $0x2  }
0x101: {  	v3 =	vmul.f32 v3, v2  }
0x102: {  	v4 =	vmul.f32 v35, v2  }
0x103: {  	v5 =	vmul.f32 v36, v2;
	v37 =	vtrunc.f32 v3  }
0x104: {  	v38 =	vtrunc.f32 v4;
	v6 =	vcvt.f32.s32 v37  }
0x105: {  	v39 =	vtrunc.f32 v5;
	v7 =	vcvt.f32.s32 v38  }
0x106: {  	v8 =	vcvt.f32.s32 v39;
	v40 =	vcvt.s32.f32 v6  }
0x107: {  	v41 =	vcvt.s32.f32 v7  }
0x108: {  	v42 =	vcvt.s32.f32 v8;
	vm13 =	vne.f32 v3, v40  }
0x109: {  	vm14 =	vne.f32 v4, v41;
	v43 =	vsel vm13, $0x1, v1  }
0x10a: {  	vm15 =	vne.f32 v5, v42;
	v44 =	vsel vm14, $0x1, v1;
	v12 =	vadd.s32 v6, v43  }
0x10b: {  	v45 =	vsel vm15, $0x1, v1;
	v13 =	vadd.s32 v7, v44;
	v12 =	vmul.u32 $0x9E3779B1, v12  }
0x10c: {  	v5 =	vsub.f32 v5, v42;
	v46 =	vadd.s32 v8, v45;
	v13 =	vmul.u32 $0x30025795, v13  }
0x10d: {  	s0 =	sadd.s32 s21, s0;
	v3 =	vsub.f32 v3, v40;
	v6 =	vmul.u32 $0x9E3779B1, v6;
	v47 =	vxor.u32 v46, v12  }
0x10e: {  	s1 =	sadd.s32 s21, s4;
	v4 =	vsub.f32 v4, v41;
	[tilespmem:s0+$0x0] =	vst v5;
	v48 =	vxor.u32 v13, v47  }
0x10f: {  	s2 =	sadd.s32 s21, s5;
	[tilespmem:s1+$0x0] =	vst v3;
	v3 =	vxor.u32 v6, v46;
	v49 =	vand.u32 $0x7FFFF, v48;
	v5 =	vand.u32 $0x7FF80, v48  }
0x110: {  	s4 =	sadd.s32 s21, s3;
	[tilespmem:s2+$0x0] =	vst v4;
	v50 =	vxor.u32 v8, v6;
	v51 =	vxor.u32 v3, v13;
	v5 =	vadd.s32 v5, v49  }
0x111: {  	s5 =	sadd.s32 s21, s6;
	v52 =	vand.u32 $0x7FFFF, v51;
	v6 =	vand.u32 $0x7FF80, v51;
	[tilespmem:s4+$0x0] =	vst v5;
	v5 =	vadd.s32 $0x80, v5  }
0x112: {  	s6 =	sadd.s32 s21, s7;
	v53 =	vxor.u32 v8, v12;
	v54 =	vxor.u32 v50, v13;
	v6 =	vadd.s32 v6, v52;
	[tilespmem:s5+$0x0] =	vst v5  }
0x113: {  	s7 =	sadd.s32 s21, s8;
	v55 =	vand.u32 $0x7FFFF, v54;
	v8 =	vand.u32 $0x7FF80, v54;
	[tilespmem:s6+$0x0] =	vst v6;
	v6 =	vadd.s32 $0x80, v6  }
0x114: {  	s8 =	sadd.s32 s21, s9;
	v56 =	vmul.u32 $0x30025795, v7;
	v57 =	vxor.u32 v13, v53;
	v8 =	vadd.s32 v8, v55;
	[tilespmem:s7+$0x0] =	vst v6  }
0x115: {  	s9 =	sadd.s32 s21, s10;
	v58 =	vand.u32 $0x7FFFF, v57;
	v7 =	vand.u32 $0x7FF80, v57;
	[tilespmem:s8+$0x0] =	vst v8;
	v8 =	vadd.s32 $0x80, v8  }
0x116: {  	s10 =	sadd.s32 s21, s12;
	v59 =	vxor.u32 v56, v47;
	v7 =	vadd.s32 v7, v58;
	[tilespmem:s9+$0x0] =	vst v8  }
0x117: {  	s12 =	sadd.s32 s21, s13;
	v9 =	vand.u32 $0x7FFFF, v59;
	v8 =	vand.u32 $0x7FF80, v59;
	[tilespmem:s10+$0x0] =	vst v7;
	v7 =	vadd.s32 $0x80, v7  }
0x118: {  	s13 =	sadd.s32 s21, s15;
	v3 =	vxor.u32 v56, v3;
	v60 =	vadd.s32 v8, v9;
	[tilespmem:s12+$0x0] =	vst v7  }
0x119: {  	s15 =	sadd.s32 s21, s11;
	v61 =	vand.u32 $0x7FFFF, v3;
	v3 =	vand.u32 $0x7FF80, v3;
	v7 =	vadd.s32 $0x80, v60;
	[tilespmem:s13+$0x0] =	vst v60  }
0x11a: {  	s22 =	sadd.s32 s21, s16;
	v4 =	vxor.u32 v56, v50;
	v3 =	vadd.s32 v3, v61;
	[tilespmem:s15+$0x0] =	vst v7  }
0x11b: {  	s24 =	sadd.s32 s21, s14;
	v62 =	vand.u32 $0x7FF80, v4;
	v4 =	vand.u32 $0x7FFFF, v4;
	[tilespmem:s22+$0x0] =	vst v3;
	v3 =	vadd.s32 $0x80, v3  }
0x11c: {  	s25 =	sadd.s32 s21, s17;
	s31 =	sld [smem:$0x7EE];
	v63 =	vxor.u32 v56, v53;
	[tilespmem:s24+$0x0] =	vst v3;
	v3 =	vadd.s32 v62, v4  }
0x11d: {  	s26 =	sadd.s32 s21, s18;
	v5 =	vand.u32 $0x7FFFF, v63;
	v4 =	vand.u32 $0x7FF80, v63;
	[tilespmem:s25+$0x0] =	vst v3;
	v3 =	vadd.s32 $0x80, v3  }
0x11e: {  	s28 =	sadd.s32 s21, s19;
	[tilespmem:s26+$0x0] =	vst v3;
	v3 =	vadd.s32 v4, v5  }
0x11f: {  	s30 =	sadd.s32 s21, s20;
	s3 =	rddreg [dreg:$0x3];
	p0 =	sne.s32 s31, $0x0;
	[tilespmem:s28+$0x0] =	vst v3;
	v3 =	vadd.s32 $0x80, v3  }
0x120: {  	s0 =	simm.s32 @p0 $0x2000;
	s1 =	simm.s32 @p0 $0x13200;
	s2 =	simm.s32 @p0 $0x17200;
	[tilespmem:s30+$0x0] =	vst v3  }
0x121: {  	[tilespmem:s2], [sflag:$0x2] =	stream.indirect.gather @p0 [spmem:s3], $0x1, s1, s0, $0xb8;
	[tilespmem:$0x1BE00] =	vst v63  }
0x122: {  	s0 =	sld [smem:$0x7EF];
	_ =	sdelay $0x1  }
0x123: {  	s29 =	sld [smem:$0x7F1]  }
0x124: {  	s1 =	simm.s32 @!p0 $0x2000;
	s0 =	sadd.s32 @!p0 $0x15200, s0  }
0x125: {  	[tilespmem:s0], [sflag:$0x1] =	stream.indirect.gather @!p0 [spmem:s3], $0x1, s23, s1, $0xb8;
	[tilespmem:$0x1BE00] =	vst v63  }
0x126: {  	p0 =	sgt.u32 s29, $0x1E  }
.Ltmp7:
0x127: {  	_ = 	snop;
	(pc) =	sbr.rel @p0 .LBB2_8-.Ltmp7, $1  }
0x128: {  	_ =	sdelay $0x3  }
0x129: {  	s23 =	sadd.s32 $0x1, s29  }
0x12a: {  	s0 =	smul.u32 $0xAB, s23;
	_ =	sdelay $0x1  }
0x12b: {  	s0 =	sshrl.u32 s0, $0x9  }
0x12c: {  	s2 =	sld [smem:$0x7F6];
	s0 =	sand.u32 $0x7F, s0  }
0x12d: {  	s0 =	smul.u32 $0x3, s0  }
0x12e: {  	s1 =	sshll.u32 s23, $0x9  }
0x12f: {  	s1 =	sadd.s32 s2, s1;
	s0 =	ssub.s32 s23, s0  }
0x130: {  	s2 =	smul.u32 $0x3, s1;
	s1 =	sand.u32 $0xFF, s0  }
0x131: {  	p0 =	seq.s32 s1, $0x2  }
.Ltmp8:
0x132: {  	_ = 	snop;
	(pc) =	sbr.rel @p0 .LBB2_11-.Ltmp8, $3  }
0x133: {  	_ =	sdelay $0x1  }
0x134: {  	s31 =	rddreg [dreg:$0x0];
	s30 =	sshrl.u32 s2, $0x3  }
0x135: {  	s0 =	sadd.s32 s31, s30  }
.Ltmp9:
0x136: {  	p0 =	seq.s32 s1, $0x1;
	(pc) =	sbr.rel .LBB2_12-.Ltmp9, $4  }
0x137: {  	s1 =	simm.s32 $0x0;
	s2 =	simm.s32 @p0 $0x10600  }
0x138: {  	[tilespmem:s2], [sflag:$0x4] =	stream.linear.gather @p0 [hbm4b:s0+s1], $0x600, $0x38;
	[tilespmem:$0x1BE00] =	vst v63  }
0x139: {  	s2 =	simm.s32 @!p0 $0x10000  }
0x13a: {  	[tilespmem:s2], [sflag:$0x3] =	stream.linear.gather @!p0 [hbm4b:s0+s1], $0x600, $0x38;
	[tilespmem:$0x1BE00] =	vst v63  }
.LBB2_8:
.Ltmp10:
0x13b: {  	(pc) =	sbr.rel .LBB2_15-.Ltmp10, $3  }
0x13c: {  	_ =	sdelay $0x1  }
0x13d: {  	s23 =	simm.s32 $0x20  }
0x13e: {  	s10 =	simm.s32 $0xC00;
	s1 =	simm.s32 $0x0;
	s0 =	simm.s32 $0x1  }
.LBB2_11:
0x13f: {  	s1 =	simm.s32 $0x0;
	s2 =	simm.s32 $0x10C00  }
0x140: {  	[tilespmem:s2], [sflag:$0x5] =	stream.linear.gather [hbm4b:s0+s1], $0x600, $0x38;
	[tilespmem:$0x1BE00] =	vst v63  }
.LBB2_12:
0x141: {  	p0 =	seq.s32 s29, $0x0  }
.Ltmp11:
0x142: {  	_ = 	snop;
	(pc) =	sbr.rel @p0 .LBB2_13-.Ltmp11, $1  }
0x143: {  	_ =	sdelay $0x3  }
0x144: {  	s2 =	sadd.s32 $0xFFFFFFFF, s29  }
0x145: {  	s1 =	sand.u32 $0x1, s2  }
0x146: {  	s0 =	simm.s32 $0x2;
	s2 =	sshll.u32 s2, $0x9;
	p0 =	seq.s32 s1, $0x1  }
0x147: {  	s10 =	sand.u32 $0xE00, s2;
	s0 =	simm.s32 @!p0 $0x1  }
.LBB2_15:
0x148: {  	s14 =	sshll.u32 s1, $0xD  }
0x149: {  	s31 =	sor.u32 $0x15600, s14  }
0x14a: {  	_ =	swait.ge [sflag:s0], $0x2000;
	s3 =	sor.u32 $0x15E00, s14;
	[dreg:$0x1c] =	wrdreg s31  }
0x14b: {  	s4 =	sadd.s32 $0x16200, s14;
	[dreg:$0x1e] =	wrdreg s3  }
0x14c: {  	s5 =	sadd.s32 $0x16600, s14;
	[dreg:$0x1f] =	wrdreg s4  }
0x14d: {  	s6 =	sadd.s32 $0x16A00, s14;
	[smem:$0x7E3] =	sst s5  }
0x14e: {  	s7 =	sadd.s32 $0x16E00, s14;
	[smem:$0x7E1] =	sst s6  }
0x14f: {  	[smem:$0x7E2] =	sst s7  }
0x150: {  	s2 =	smul.u32 $0x1800, s1;
	s8 =	sld [smem:$0x7E1]  }
0x151: {  	s9 =	simm.s32 $0x0;
	s1 =	sor.u32 $0x15200, s14;
	s3 =	sld [smem:$0x7E2]  }
0x152: {  	[sflag:s0] =	ssyncset.done $0x0;
	s12 =	sand.u32 $0x180, s9;
	s5 =	sld [smem:$0x7E3]  }
0x153: {  	s13 =	sshrl.u32 s2, $0x2;
	[sflag:s0] =	ssyncadd.s32 $0xFFFFE000;
	s11 =	rddreg [dreg:$0x1f]  }
0x154: {  	s4 =	sand.u32 $0x60, s9;
	s2 =	sadd.s32 $0x1B200, s13;
	s9 =	rddreg [dreg:$0x1c]  }
0x155: {  	[dreg:$0x18] =	wrdreg s2;
	s2 =	sor.u32 $0x15A00, s14;
	s9 =	sadd.s32 s12, s9  }
0x156: {  	[dreg:$0x1d] =	wrdreg s2;
	s2 =	sadd.s32 s12, s11;
	s20 =	sadd.s32 s4, s9  }
0x157: {  	[dreg:$0x1b] =	wrdreg s1;
	s1 =	sadd.s32 s12, s8;
	s17 =	sadd.s32 s4, s2;
	v9 =	vld [tilespmem:s20+$0x0]  }
0x158: {  	s0 =	sadd.s32 s12, s3;
	s6 =	sadd.s32 s4, s1;
	v6 =	vld [tilespmem:s17+$0x0]  }
0x159: {  	s11 =	rddreg [dreg:$0x1b];
	s3 =	sadd.s32 s12, s5;
	s15 =	sadd.s32 s4, s0;
	v3 =	vld [tilespmem:s6+$0x0]  }
0x15a: {  	s7 =	rddreg [dreg:$0x1e];
	s11 =	sadd.s32 s12, s11;
	s8 =	sadd.s32 s4, s3;
	v4 =	vld [tilespmem:s15+$0x0]  }
0x15b: {  	s16 =	rddreg [dreg:$0x1d];
	s5 =	sadd.s32 s12, s7;
	s21 =	sadd.s32 s4, s11;
	v5 =	vld [tilespmem:s8+$0x0]  }
0x15c: {  	s18 =	rddreg [dreg:$0x18];
	s6 =	sadd.s32 s12, s16;
	s15 =	sadd.s32 s4, s5;
	v10 =	vld [tilespmem:s21+$0x0]  }
0x15d: {  	s7 =	sadd.s32 s12, s18;
	s19 =	sadd.s32 s4, s6;
	v7 =	vld [tilespmem:s15+$0x0]  }
0x15e: {  	s22 =	sadd.s32 s4, s7;
	v8 =	vld [tilespmem:s19+$0x0]  }
0x15f: {  	v11 =	vld [tilespmem:s22+$0x0];
	_ =	sdelay $0x1  }
0x160: {  	s24 =	sadd.s32 $0x1B400, s13  }
0x161: {  	[dreg:$0x19] =	wrdreg s24;
	v5 =	vsub.f32 v5, v3;
	v6 =	vsub.f32 v6, v4  }
0x162: {  	s8 =	rddreg [dreg:$0x19];
	v10 =	vsub.f32 v10, v7;
	v9 =	vsub.f32 v9, v8  }
0x163: {  	s8 =	sadd.s32 s12, s8;
	v5 =	vmul.f32 v5, v11;
	v6 =	vmul.f32 v6, v11  }
0x164: {  	s25 =	sadd.s32 s4, s8;
	v10 =	vmul.f32 v10, v11;
	v9 =	vmul.f32 v9, v11  }
0x165: {  	s26 =	sor.u32 $0x15400, s14;
	v12 =	vld [tilespmem:s25+$0x0];
	v3 =	vadd.f32 v5, v3;
	v4 =	vadd.f32 v6, v4  }
0x166: {  	[smem:$0x7E6] =	sst s26;
	s13 =	sadd.s32 $0x1B600, s13;
	v5 =	vadd.f32 v10, v7;
	v6 =	vadd.f32 v9, v8  }
0x167: {  	[dreg:$0x1a] =	wrdreg s13  }
0x168: {  	s28 =	sor.u32 $0x15800, s14;
	s13 =	rddreg [dreg:$0x1a];
	v4 =	vsub.f32 v4, v3;
	v5 =	vsub.f32 v5, v6  }
0x169: {  	s30 =	sor.u32 $0x15C00, s14;
	[smem:$0x7E4] =	sst s28;
	s13 =	sadd.s32 s12, s13  }
0x16a: {  	[smem:$0x7E7] =	sst s30;
	s31 =	sadd.s32 $0x16000, s14;
	s16 =	sadd.s32 s4, s13;
	v4 =	vmul.f32 v4, v12;
	v5 =	vmul.f32 v5, v12  }
0x16b: {  	[smem:$0x7E5] =	sst s31;
	v7 =	vld [tilespmem:s16+$0x0]  }
0x16c: {  	s18 =	sadd.s32 $0x16800, s14;
	s20 =	sld [smem:$0x7E4];
	v3 =	vadd.f32 v4, v3;
	v5 =	vadd.f32 v5, v6  }
0x16d: {  	[smem:$0x7EA] =	sst s18  }
0x16e: {  	s17 =	sadd.s32 $0x16400, s14;
	s18 =	sld [smem:$0x7E7];
	v4 =	vsub.f32 v5, v3  }
0x16f: {  	[smem:$0x7EB] =	sst s17  }
0x170: {  	s24 =	sshll.u32 s10, $0x1;
	s17 =	sld [smem:$0x7E5];
	s19 =	sadd.s32 $0x16C00, s14;
	v4 =	vmul.f32 v4, v7  }
0x171: {  	s22 =	sand.u32 $0x1F00, s24;
	[smem:$0x7E9] =	sst s19  }
0x172: {  	s14 =	sadd.s32 $0x17000, s14;
	s25 =	sld [smem:$0x7E6];
	s16 =	sadd.s32 $0x19200, s22;
	v3 =	vadd.f32 v4, v3  }
0x173: {  	s15 =	sadd.s32 s12, s20;
	[smem:$0x7E8] =	sst s14;
	s21 =	sor.u32 s4, s16  }
0x174: {  	s19 =	sadd.s32 s4, s15;
	s10 =	sadd.s32 s12, s17;
	s20 =	sld [smem:$0x7E8];
	[tilespmem:s21+$0x0] =	vst v3  }
0x175: {  	s26 =	sadd.s32 s4, s10;
	s14 =	sadd.s32 s12, s25;
	s22 =	sld [smem:$0x7E9];
	v3 =	vld [tilespmem:s19+$0x0]  }
0x176: {  	s28 =	sld [smem:$0x7EA];
	s17 =	sadd.s32 s12, s18;
	s25 =	sadd.s32 s4, s14;
	v4 =	vld [tilespmem:s26+$0x0]  }
0x177: {  	s30 =	sld [smem:$0x7EB];
	s18 =	sadd.s32 s4, s17;
	s20 =	sadd.s32 s12, s20;
	v5 =	vld [tilespmem:s25+$0x0]  }
0x178: {  	s31 =	sadd.s32 s4, s20;
	v6 =	vld [tilespmem:s18+$0x0];
	s18 =	sadd.s32 s12, s22  }
0x179: {  	s19 =	sadd.s32 s12, s28;
	v8 =	vld [tilespmem:s31+$0x0];
	s26 =	sadd.s32 s4, s18  }
0x17a: {  	s12 =	sadd.s32 s12, s30;
	s28 =	sadd.s32 s4, s19;
	v9 =	vld [tilespmem:s26+$0x0]  }
0x17b: {  	s30 =	sadd.s32 s4, s12;
	v10 =	vld [tilespmem:s28+$0x0]  }
0x17c: {  	v13 =	vld [tilespmem:s30+$0x0];
	_ =	sdelay $0x3  }
0x17d: {  	v5 =	vsub.f32 v5, v4;
	v3 =	vsub.f32 v3, v6  }
0x17e: {  	v10 =	vsub.f32 v10, v9;
	v13 =	vsub.f32 v13, v8  }
0x17f: {  	v5 =	vmul.f32 v5, v11;
	v3 =	vmul.f32 v3, v11  }
0x180: {  	v10 =	vmul.f32 v10, v11;
	v11 =	vmul.f32 v13, v11  }
0x181: {  	v4 =	vadd.f32 v5, v4;
	v3 =	vadd.f32 v3, v6  }
0x182: {  	v5 =	vadd.f32 v10, v9;
	v6 =	vadd.f32 v11, v8;
	_ =	sdelay $0x1  }
0x183: {  	v4 =	vsub.f32 v4, v3;
	v6 =	vsub.f32 v6, v5;
	_ =	sdelay $0x1  }
0x184: {  	v4 =	vmul.f32 v4, v12;
	v6 =	vmul.f32 v6, v12;
	_ =	sdelay $0x1  }
0x185: {  	v3 =	vadd.f32 v4, v3;
	v4 =	vadd.f32 v6, v5;
	_ =	sdelay $0x1  }
0x186: {  	v3 =	vsub.f32 v3, v4;
	_ =	sdelay $0x1  }
0x187: {  	v3 =	vmul.f32 v3, v7;
	_ =	sdelay $0x1  }
0x188: {  	v3 =	vadd.f32 v3, v4  }
0x189: {  	s4 =	sor.u32 $0x10, s4  }
0x18a: {  	s11 =	sadd.s32 s4, s11;
	[tilespmem:s21+$0x80] =	vst v3  }
0x18b: {  	s9 =	sadd.s32 s4, s9;
	v4 =	vld [tilespmem:s11+$0x0]  }
0x18c: {  	s1 =	sadd.s32 s4, s1;
	v5 =	vld [tilespmem:s9+$0x0]  }
0x18d: {  	s31 =	sadd.s32 s4, s3;
	v6 =	vld [tilespmem:s1+$0x0]  }
0x18e: {  	s3 =	sadd.s32 s4, s5;
	v7 =	vld [tilespmem:s31+$0x0]  }
0x18f: {  	s5 =	sadd.s32 s4, s6;
	v8 =	vld [tilespmem:s3+$0x0]  }
0x190: {  	s0 =	sadd.s32 s4, s0;
	v9 =	vld [tilespmem:s5+$0x0]  }
0x191: {  	s6 =	sadd.s32 s4, s2;
	v10 =	vld [tilespmem:s0+$0x0]  }
0x192: {  	v11 =	vld [tilespmem:s6+$0x0];
	s9 =	sadd.s32 s4, s7  }
0x193: {  	v3 =	vld [tilespmem:s9+$0x0];
	_ =	sdelay $0x2  }
0x194: {  	v4 =	vsub.f32 v4, v8;
	v5 =	vsub.f32 v5, v9  }
0x195: {  	v7 =	vsub.f32 v7, v6;
	v11 =	vsub.f32 v11, v10  }
0x196: {  	v12 =	vmul.f32 v4, v3;
	v5 =	vmul.f32 v5, v3  }
0x197: {  	s11 =	sadd.s32 s4, s8;
	v7 =	vmul.f32 v7, v3;
	v11 =	vmul.f32 v11, v3  }
0x198: {  	v4 =	vld [tilespmem:s11+$0x0];
	v8 =	vadd.f32 v12, v8;
	v9 =	vadd.f32 v5, v9  }
0x199: {  	v6 =	vadd.f32 v7, v6;
	v5 =	vadd.f32 v11, v10;
	_ =	sdelay $0x1  }
0x19a: {  	v7 =	vsub.f32 v8, v9;
	v5 =	vsub.f32 v5, v6;
	_ =	sdelay $0x1  }
0x19b: {  	s13 =	sadd.s32 s4, s13;
	v7 =	vmul.f32 v7, v4;
	v8 =	vmul.f32 v5, v4  }
0x19c: {  	v5 =	vld [tilespmem:s13+$0x0]  }
0x19d: {  	v7 =	vadd.f32 v7, v9;
	v6 =	vadd.f32 v8, v6;
	_ =	sdelay $0x1  }
0x19e: {  	v7 =	vsub.f32 v7, v6;
	_ =	sdelay $0x1  }
0x19f: {  	v7 =	vmul.f32 v7, v5;
	_ =	sdelay $0x1  }
0x1a0: {  	v6 =	vadd.f32 v7, v6  }
0x1a1: {  	s1 =	sor.u32 s4, s16  }
0x1a2: {  	s21 =	sadd.s32 s4, s20;
	[tilespmem:s1+$0x0] =	vst v6  }
0x1a3: {  	s22 =	sadd.s32 s4, s15;
	v6 =	vld [tilespmem:s21+$0x0]  }
0x1a4: {  	s25 =	sadd.s32 s4, s19;
	v10 =	vld [tilespmem:s22+$0x0]  }
0x1a5: {  	s26 =	sadd.s32 s4, s12;
	v8 =	vld [tilespmem:s25+$0x0]  }
0x1a6: {  	s28 =	sadd.s32 s4, s17;
	v12 =	vld [tilespmem:s26+$0x0]  }
0x1a7: {  	s30 =	sadd.s32 s4, s14;
	v7 =	vld [tilespmem:s28+$0x0]  }
0x1a8: {  	s31 =	sadd.s32 s4, s10;
	v11 =	vld [tilespmem:s30+$0x0]  }
0x1a9: {  	s2 =	sadd.s32 s4, s18;
	s0 =	simm.s32 $0x20;
	v9 =	vld [tilespmem:s31+$0x0]  }
.LBB2_16:
0x1aa: {  	v13 =	vld [tilespmem:s2+$0x0];
	_ =	sdelay $0x3  }
0x1ab: {  	v12 =	vsub.f32 v12, v6;
	v10 =	vsub.f32 v10, v7  }
0x1ac: {  	v11 =	vsub.f32 v11, v9;
	v8 =	vsub.f32 v8, v13  }
0x1ad: {  	v12 =	vmul.f32 v12, v3;
	v10 =	vmul.f32 v10, v3  }
0x1ae: {  	v11 =	vmul.f32 v11, v3;
	v3 =	vmul.f32 v8, v3  }
0x1af: {  	v6 =	vadd.f32 v12, v6;
	v7 =	vadd.f32 v10, v7  }
0x1b0: {  	v8 =	vadd.f32 v11, v9;
	v3 =	vadd.f32 v3, v13;
	_ =	sdelay $0x1  }
0x1b1: {  	v8 =	vsub.f32 v8, v7;
	v6 =	vsub.f32 v6, v3;
	_ =	sdelay $0x1  }
0x1b2: {  	v8 =	vmul.f32 v8, v4;
	v4 =	vmul.f32 v6, v4;
	_ =	sdelay $0x1  }
0x1b3: {  	v6 =	vadd.f32 v8, v7;
	v3 =	vadd.f32 v4, v3;
	_ =	sdelay $0x1  }
0x1b4: {  	v4 =	vsub.f32 v6, v3;
	_ =	sdelay $0x1  }
0x1b5: {  	s3 =	sld [smem:$0x7E1];
	v4 =	vmul.f32 v4, v5  }
0x1b6: {  	s5 =	smov.u32 s0;
	s6 =	sld [smem:$0x7E2]  }
0x1b7: {  	s13 =	sand.u32 $0x180, s5;
	v3 =	vadd.f32 v4, v3  }
0x1b8: {  	s28 =	sld [smem:$0x7E3];
	s10 =	sand.u32 $0x60, s5;
	s4 =	sadd.s32 s13, s3  }
0x1b9: {  	s30 =	rddreg [dreg:$0x18];
	s8 =	sadd.s32 s13, s6;
	s7 =	sadd.s32 s10, s4;
	[tilespmem:s1+$0x80] =	vst v3  }
0x1ba: {  	s9 =	sadd.s32 s13, s30;
	s15 =	sadd.s32 s10, s8;
	v4 =	vld [tilespmem:s7+$0x0]  }
0x1bb: {  	s31 =	rddreg [dreg:$0x1f];
	s2 =	sadd.s32 s13, s28;
	s5 =	sadd.s32 s10, s9;
	v5 =	vld [tilespmem:s15+$0x0]  }
0x1bc: {  	s11 =	sadd.s32 s13, s31;
	s6 =	rddreg [dreg:$0x1e];
	s14 =	sadd.s32 s10, s2;
	v3 =	vld [tilespmem:s5+$0x0]  }
0x1bd: {  	s12 =	rddreg [dreg:$0x1d];
	s18 =	sadd.s32 s10, s11;
	s3 =	sadd.s32 s13, s6;
	v6 =	vld [tilespmem:s14+$0x0]  }
0x1be: {  	s16 =	rddreg [dreg:$0x1c];
	s12 =	sadd.s32 s13, s12;
	s19 =	sadd.s32 s10, s3;
	v7 =	vld [tilespmem:s18+$0x0]  }
0x1bf: {  	s17 =	rddreg [dreg:$0x1b];
	s20 =	sadd.s32 s10, s12;
	s5 =	sadd.s32 s13, s16;
	v8 =	vld [tilespmem:s19+$0x0]  }
0x1c0: {  	s6 =	sadd.s32 s13, s17;
	v9 =	vld [tilespmem:s20+$0x0];
	s21 =	sadd.s32 s10, s5  }
0x1c1: {  	s14 =	sadd.s32 s10, s6;
	v10 =	vld [tilespmem:s21+$0x0]  }
0x1c2: {  	v11 =	vld [tilespmem:s14+$0x0]  }
0x1c3: {  	v6 =	vsub.f32 v6, v4;
	_ =	sdelay $0x1  }
0x1c4: {  	v7 =	vsub.f32 v7, v5;
	v6 =	vmul.f32 v6, v3  }
0x1c5: {  	v10 =	vsub.f32 v10, v9  }
0x1c6: {  	s22 =	rddreg [dreg:$0x19];
	v7 =	vmul.f32 v7, v3;
	v4 =	vadd.f32 v6, v4;
	v6 =	vsub.f32 v11, v8  }
0x1c7: {  	s7 =	sadd.s32 s13, s22  }
0x1c8: {  	s1 =	sadd.s32 s10, s7;
	v5 =	vadd.f32 v7, v5;
	v7 =	vmul.f32 v10, v3;
	v6 =	vmul.f32 v6, v3  }
0x1c9: {  	v12 =	vld [tilespmem:s1+$0x0]  }
0x1ca: {  	v7 =	vadd.f32 v7, v9;
	v6 =	vadd.f32 v6, v8;
	_ =	sdelay $0x1  }
0x1cb: {  	s25 =	rddreg [dreg:$0x1a];
	v5 =	vsub.f32 v5, v4;
	v6 =	vsub.f32 v6, v7  }
0x1cc: {  	s15 =	sadd.s32 s13, s25  }
0x1cd: {  	s1 =	sadd.s32 s10, s15;
	v5 =	vmul.f32 v5, v12;
	v6 =	vmul.f32 v6, v12  }
0x1ce: {  	v8 =	vld [tilespmem:s1+$0x0]  }
0x1cf: {  	v4 =	vadd.f32 v5, v4;
	v6 =	vadd.f32 v6, v7;
	_ =	sdelay $0x1  }
0x1d0: {  	v5 =	vsub.f32 v6, v4;
	_ =	sdelay $0x1  }
0x1d1: {  	s24 =	sadd.s32 $0x40, s24;
	s26 =	sld [smem:$0x7E4];
	v5 =	vmul.f32 v5, v8  }
0x1d2: {  	s28 =	sand.u32 $0x1F00, s24;
	s16 =	sld [smem:$0x7E5]  }
0x1d3: {  	s17 =	sld [smem:$0x7E6];
	s1 =	sadd.s32 $0x19200, s28;
	v4 =	vadd.f32 v5, v4  }
0x1d4: {  	s30 =	sld [smem:$0x7E7];
	s18 =	sadd.s32 s13, s26;
	s21 =	sor.u32 s10, s1  }
0x1d5: {  	s31 =	sld [smem:$0x7E9];
	s19 =	sadd.s32 s10, s18;
	s16 =	sadd.s32 s13, s16;
	[tilespmem:s21+$0x0] =	vst v4  }
0x1d6: {  	s17 =	sadd.s32 s13, s17;
	s22 =	sld [smem:$0x7E8];
	s20 =	sadd.s32 s10, s16;
	v4 =	vld [tilespmem:s19+$0x0]  }
0x1d7: {  	s25 =	sadd.s32 s10, s17;
	s19 =	sadd.s32 s13, s30;
	v5 =	vld [tilespmem:s20+$0x0];
	s30 =	sld [smem:$0x7EA]  }
0x1d8: {  	s26 =	sld [smem:$0x7EB];
	v6 =	vld [tilespmem:s25+$0x0];
	s20 =	sadd.s32 s13, s31;
	s28 =	sadd.s32 s10, s19  }
0x1d9: {  	s22 =	sadd.s32 s13, s22;
	s31 =	sadd.s32 s10, s20;
	v7 =	vld [tilespmem:s28+$0x0]  }
0x1da: {  	s28 =	sadd.s32 s10, s22;
	v10 =	vld [tilespmem:s31+$0x0];
	s14 =	sadd.s32 s13, s30  }
0x1db: {  	v9 =	vld [tilespmem:s28+$0x0];
	s13 =	sadd.s32 s13, s26;
	s30 =	sadd.s32 s10, s14  }
0x1dc: {  	s31 =	sadd.s32 s10, s13;
	v11 =	vld [tilespmem:s30+$0x0]  }
0x1dd: {  	v6 =	vsub.f32 v6, v5;
	v13 =	vld [tilespmem:s31+$0x0]  }
0x1de: {  	v4 =	vsub.f32 v4, v7  }
0x1df: {  	v6 =	vmul.f32 v6, v3  }
0x1e0: {  	v4 =	vmul.f32 v4, v3  }
0x1e1: {  	v5 =	vadd.f32 v6, v5;
	v6 =	vsub.f32 v11, v10  }
0x1e2: {  	v4 =	vadd.f32 v4, v7;
	v7 =	vsub.f32 v13, v9;
	_ =	sdelay $0x1  }
0x1e3: {  	v6 =	vmul.f32 v6, v3;
	v3 =	vmul.f32 v7, v3;
	_ =	sdelay $0x1  }
0x1e4: {  	v6 =	vadd.f32 v6, v10;
	v3 =	vadd.f32 v3, v9;
	_ =	sdelay $0x1  }
0x1e5: {  	v5 =	vsub.f32 v5, v4;
	v3 =	vsub.f32 v3, v6;
	_ =	sdelay $0x1  }
0x1e6: {  	v5 =	vmul.f32 v5, v12;
	v3 =	vmul.f32 v3, v12;
	_ =	sdelay $0x1  }
0x1e7: {  	v4 =	vadd.f32 v5, v4;
	v3 =	vadd.f32 v3, v6;
	_ =	sdelay $0x1  }
0x1e8: {  	v4 =	vsub.f32 v4, v3;
	_ =	sdelay $0x1  }
0x1e9: {  	v4 =	vmul.f32 v4, v8;
	_ =	sdelay $0x1  }
0x1ea: {  	v3 =	vadd.f32 v4, v3  }
0x1eb: {  	s10 =	sor.u32 $0x10, s10  }
0x1ec: {  	s6 =	sadd.s32 s10, s6;
	[tilespmem:s21+$0x80] =	vst v3  }
0x1ed: {  	s30 =	sadd.s32 s10, s5;
	v4 =	vld [tilespmem:s6+$0x0]  }
0x1ee: {  	s26 =	sadd.s32 s10, s4;
	v5 =	vld [tilespmem:s30+$0x0]  }
0x1ef: {  	s28 =	sadd.s32 s10, s9;
	v6 =	vld [tilespmem:s26+$0x0]  }
0x1f0: {  	s2 =	sadd.s32 s10, s2;
	v3 =	vld [tilespmem:s28+$0x0]  }
0x1f1: {  	s21 =	sadd.s32 s10, s3;
	v7 =	vld [tilespmem:s2+$0x0]  }
0x1f2: {  	s12 =	sadd.s32 s10, s12;
	v8 =	vld [tilespmem:s21+$0x0]  }
0x1f3: {  	s11 =	sadd.s32 s10, s11;
	v9 =	vld [tilespmem:s12+$0x0]  }
0x1f4: {  	s6 =	sadd.s32 s10, s8;
	v11 =	vld [tilespmem:s11+$0x0]  }
0x1f5: {  	v10 =	vld [tilespmem:s6+$0x0];
	_ =	sdelay $0x2  }
0x1f6: {  	v5 =	vsub.f32 v5, v9  }
0x1f7: {  	v4 =	vsub.f32 v4, v8  }
0x1f8: {  	v7 =	vsub.f32 v7, v6;
	v11 =	vsub.f32 v11, v10;
	v5 =	vmul.f32 v5, v3  }
0x1f9: {  	s31 =	sadd.s32 s10, s7;
	v12 =	vmul.f32 v4, v3  }
0x1fa: {  	v7 =	vmul.f32 v7, v3;
	v4 =	vld [tilespmem:s31+$0x0];
	v5 =	vadd.f32 v5, v9;
	v9 =	vmul.f32 v11, v3  }
0x1fb: {  	v8 =	vadd.f32 v12, v8  }
0x1fc: {  	v6 =	vadd.f32 v7, v6;
	v7 =	vadd.f32 v9, v10  }
0x1fd: {  	v8 =	vsub.f32 v8, v5  }
0x1fe: {  	v7 =	vsub.f32 v7, v6  }
0x1ff: {  	v8 =	vmul.f32 v8, v4  }
0x200: {  	s9 =	sadd.s32 s10, s15;
	v7 =	vmul.f32 v7, v4  }
0x201: {  	v8 =	vadd.f32 v8, v5;
	v5 =	vld [tilespmem:s9+$0x0]  }
0x202: {  	v6 =	vadd.f32 v7, v6;
	_ =	sdelay $0x1  }
0x203: {  	v7 =	vsub.f32 v8, v6;
	_ =	sdelay $0x1  }
0x204: {  	v7 =	vmul.f32 v7, v5;
	_ =	sdelay $0x1  }
0x205: {  	v6 =	vadd.f32 v7, v6  }
0x206: {  	s1 =	sor.u32 s10, s1  }
0x207: {  	s5 =	sadd.s32 s10, s22;
	[tilespmem:s1+$0x0] =	vst v6  }
0x208: {  	s7 =	sadd.s32 s10, s18;
	v6 =	vld [tilespmem:s5+$0x0]  }
0x209: {  	p0 =	sne.s32 s0, $0x1E0;
	s31 =	sadd.s32 s10, s14;
	v10 =	vld [tilespmem:s7+$0x0]  }
.Ltmp12:
0x20a: {  	s18 =	sadd.s32 s10, s13;
	v8 =	vld [tilespmem:s31+$0x0];
	(pc) =	sbr.rel @p0 .LBB2_16-.Ltmp12, $4  }
0x20b: {  	s26 =	sadd.s32 s10, s19;
	v12 =	vld [tilespmem:s18+$0x0]  }
0x20c: {  	s28 =	sadd.s32 s10, s17;
	v7 =	vld [tilespmem:s26+$0x0]  }
0x20d: {  	s30 =	sadd.s32 s10, s16;
	v11 =	vld [tilespmem:s28+$0x0]  }
0x20e: {  	s0 =	sadd.s32 $0x20, s0;
	s2 =	sadd.s32 s10, s20;
	v9 =	vld [tilespmem:s30+$0x0]  }
0x20f: {  	v13 =	vld [tilespmem:s2+$0x0];
	_ =	sdelay $0x3  }
0x210: {  	v12 =	vsub.f32 v12, v6;
	v10 =	vsub.f32 v10, v7  }
0x211: {  	v11 =	vsub.f32 v11, v9;
	v8 =	vsub.f32 v8, v13  }
0x212: {  	v12 =	vmul.f32 v12, v3;
	v10 =	vmul.f32 v10, v3  }
0x213: {  	v11 =	vmul.f32 v11, v3;
	v3 =	vmul.f32 v8, v3  }
0x214: {  	v59 =	vadd.f32 v12, v6;
	v60 =	vadd.f32 v10, v7  }
0x215: {  	v61 =	vadd.f32 v11, v9;
	v3 =	vadd.f32 v3, v13;
	_ =	sdelay $0x1  }
0x216: {  	v8 =	vsub.f32 v61, v60;
	v6 =	vsub.f32 v59, v3;
	_ =	sdelay $0x1  }
0x217: {  	v8 =	vmul.f32 v8, v4;
	v62 =	vmul.f32 v6, v4;
	_ =	sdelay $0x1  }
0x218: {  	v63 =	vadd.f32 v8, v60;
	v3 =	vadd.f32 v62, v3;
	_ =	sdelay $0x1  }
0x219: {  	s0 =	sand.u32 $0x7, s29;
	s2 =	sld [smem:$0x7F3];
	v4 =	vsub.f32 v63, v3  }
0x21a: {  	p0 =	sne.s32 s0, $0x0  }
0x21b: {  	s0 =	sshll.u32 @!p0 s29, $0xC;
	v4 =	vmul.f32 v4, v5  }
0x21c: {  	s0 =	sadd.s32 @!p0 s2, s0;
	s2 =	sld [smem:$0x7F5]  }
0x21d: {  	v3 =	vadd.f32 v4, v3  }
0x21e: {  	s3 =	simm.s32 @!p0 $0x19200;
	s0 =	sshrl.u32 @!p0 s0, $0x3  }
0x21f: {  	s0 =	sadd.s32 @!p0 s2, s0;
	s2 =	simm.s32 @!p0 $0x400;
	[tilespmem:s1+$0x80] =	vst v3;
	s1 =	simm.s32 @!p0 $0x100  }
0x220: {  	[hbm4b:s0+s1] =	stream.strided.scatter @!p0 [tilespmem:s3], [sflag:$0x6], $0x2000, s2, s1, $0x38;
	[tilespmem:$0x1BE00] =	vst v63  }
0x221: {  	s0 =	simm.s32 @!p0 $0x6  }
0x222: {  	_ =	swait.ge @!p0 [sflag:s0], $0x2000  }
0x223: {  	[sflag:s0] =	ssyncset.done @!p0 $0x0  }
0x224: {  	[sflag:s0] =	ssyncadd.s32 @!p0 $0xFFFFE000  }
.LBB2_18:
0x225: {  	p0 =	slt.u32 s23, $0x21  }
.Ltmp13:
0x226: {  	_ = 	snop;
	(pc) =	sbr.rel @p0 .LBB2_3-.Ltmp13, $4  }
.Ltmp14:
0x227: {  	_ = 	snop;
	(pc) =	sbr.rel @!p0 .LBB2_19-.Ltmp14, $4  }
0x228: {  	_ = 	snop  }
0x229: {  	_ = 	snop  }
0x22a: {  	s29 =	smov.u32 s23  }
0x22b: {  	_ = 	snop  }
.LBB2_13:
.Ltmp15:
0x22c: {  	(pc) =	sbr.rel .LBB2_18-.Ltmp15, $2  }
0x22d: {  	_ =	sdelay $0x2  }
0x22e: {  	s23 =	simm.s32 $0x1  }
.LBB2_21:
0x22f: {  	_ =	sfence.sel $0x180000  }
0x230: {  	[bflag:$0x0] =	sbarrier.arrive $0xFFFF  }
0x231: {  	_ =	strace $0x90000047  }
0x232: {  	s0 =	stileid.u32;
	[bflag:$0x2] =	sbarrier.arrive $0xFFFF  }
0x233: {  	p0 =	sne.s32 s0, $0x0;
	s0 =	rddreg [dreg:$0x4]  }
0x234: {  	s0 =	sadd.s32 @!p0 $0x100000, s0  }
0x235: {  	[sflag:s0] =	ssyncadd.tile.s32 @!p0 $0x1;
	_ =	shalt  }
.Lfunc_end2:
_tile_overlayer_lowered:
.L_overlay_start_2:
0x236: {  	(tag) =	ssettag $0x2  }
0x237: {  	s0 =	rddreg [dreg:$0x0];
	s2 =	stileid.u32  }
0x238: {  	s1 =	rddreg [dreg:$0x1];
	p0 =	sne.s32 s2, $0x0  }
0x239: {  	s3 =	rddreg [dreg:$0x2];
	[bflag:$0x3] =	sbarrier.arrive $0xFFFF;
	s2 =	simm.s32 @!p0 $0x1C06  }
0x23a: {  	[timem:s3], [sflag:s2] =	dma.local @!p0 [hbm:s0], s1  }
0x23b: {  	s0 =	simm.s32 @!p0 $0x6  }
0x23c: {  	_ =	swait.ge @!p0 [sflag:s0], s1  }
0x23d: {  	s1 =	ssub.s32 @!p0 $0x0, s1;
	[sflag:s0] =	ssyncset.done @!p0 $0x0  }
0x23e: {  	[sflag:s0] =	ssyncadd.s32 @!p0 s1  }
0x23f: {  	[bflag:$0x3] =	sbarrier.arrive $0xFFFF  }
0x240: {  	_ =	shalt  }

</sc_bundles>
